<compile_context>
chip_gen: v7x
topology: tpu7x:2x2x1
jax: 0.10.2.dev20260603
libtpu: 0.0.44.dev20260713+nightly
codegen_flags: <defaults>
</compile_context>

<pallas_src>
import functools

import jax
import jax.numpy as jnp
from jax import lax
from jax.experimental import pallas as pl
from jax.experimental.pallas import tpu as pltpu
from jax.experimental.pallas import tpu_sc as plsc

NC = 2
NS = 16
L = 16

CHUNK = 128
N_CHUNKS = 80
UNROLL = 4


def _sc_propagate(x, src3, dst3, w3):
    n, d = x.shape
    npad = ((n + 8 * NS - 1) // (8 * NS)) * (8 * NS)
    rows_per_tile = npad // NS
    half = N_CHUNKS // 2

    mesh = plsc.VectorSubcoreMesh(
        core_axis_name="c", subcore_axis_name="s", num_cores=NC, num_subcores=NS
    )

    @functools.partial(
        pl.kernel,
        out_type=jax.ShapeDtypeStruct((NC * npad, d), jnp.float32),
        mesh=mesh,
        scratch_types=[
            pltpu.VMEM((CHUNK,), jnp.int32),
            pltpu.VMEM((CHUNK,), jnp.int32),
            pltpu.VMEM((CHUNK,), jnp.float32),
            pltpu.VMEM((CHUNK, d), jnp.float32),
            pltpu.VMEM((CHUNK, d), jnp.float32),
            pltpu.VMEM_SHARED((npad, d), jnp.float32),
            pltpu.SemaphoreType.DMA,
            pltpu.SemaphoreType.DMA,
            pltpu.SemaphoreType.DMA,
            pltpu.SemaphoreType.DMA,
        ],
        compiler_params=pltpu.CompilerParams(needs_layout_passes=False),
    )
    def k(x_hbm, src_hbm, dst_hbm, w_hbm, out_hbm,
          sidx, didx, wv, rows0, rows1, acc,
          gsem0, gsem1, ssem0, ssem1):
        c = lax.axis_index("c")
        s = lax.axis_index("s")
        wid = c * NS + s

        def zrow(r, _):
            for kk in range(d // L):
                rows0[r, pl.ds(kk * L, L)] = jnp.zeros((L,), jnp.float32)
            return 0

        lax.fori_loop(0, CHUNK, zrow, 0)
        row0 = s * rows_per_tile
        nfull = rows_per_tile // CHUNK
        rem = rows_per_tile - nfull * CHUNK
        for j in range(nfull):
            pltpu.sync_copy(rows0, acc.at[pl.ds(row0 + j * CHUNK, CHUNK)])
        if rem:
            pltpu.sync_copy(
                rows0.at[pl.ds(0, rem)],
                acc.at[pl.ds(row0 + nfull * CHUNK, rem)],
            )
        plsc.subcore_barrier()

        def scale(buf):
            def body(u, _):
                for t in range(UNROLL):
                    e = u * UNROLL + t
                    wsplat = plsc.load_gather(wv, [jnp.full((L,), e, jnp.int32)])
                    for kk in range(d // L):
                        sl = pl.ds(kk * L, L)
                        buf[e, sl] = buf[e, sl] * wsplat
                return 0

            lax.fori_loop(0, CHUNK // UNROLL, body, 0)

        def chunk_body(i, _):
            pltpu.sync_copy(src_hbm.at[wid, i], sidx)
            pltpu.sync_copy(dst_hbm.at[wid, i], didx)
            pltpu.sync_copy(w_hbm.at[wid, i], wv)
            pltpu.async_copy(x_hbm.at[sidx], rows0, gsem0).wait()
            scale(rows0)
            pltpu.sync_copy(rows0, acc.at[didx], add=True)
            return 0

        lax.fori_loop(0, N_CHUNKS, chunk_body, 0)
        plsc.subcore_barrier()

        pltpu.sync_copy(
            acc.at[pl.ds(row0, rows_per_tile)],
            out_hbm.at[pl.ds(c * npad + row0, rows_per_tile)],
        )

    return k(x, src3, dst3, w3)


def _tc_dense(p0, p1, x, w1, b1, w2, b2):
    n, d = x.shape
    bm = 2000

    def body(p0_ref, p1_ref, x_ref, w1_ref, b1_ref, w2_ref, b2_ref, o_ref):
        xp = p0_ref[...] + p1_ref[...]
        h1 = xp + x_ref[...]
        h2 = xp * x_ref[...]
        dn = (((1,), (1,)), ((), ()))
        acc = lax.dot_general(h1, w1_ref[...], dn, preferred_element_type=jnp.float32)
        acc = acc + lax.dot_general(h2, w2_ref[...], dn, preferred_element_type=jnp.float32)
        acc = acc + b1_ref[...] + b2_ref[...]
        o_ref[...] = jnp.maximum(acc, 0.0)

    row_spec = pl.BlockSpec((bm, d), lambda i: (i, 0))
    full_spec = pl.BlockSpec((d, d), lambda i: (0, 0))
    bias_spec = pl.BlockSpec((1, d), lambda i: (0, 0))
    return pl.pallas_call(
        body,
        out_shape=jax.ShapeDtypeStruct((n, d), jnp.float32),
        grid=(n // bm,),
        in_specs=[row_spec, row_spec, row_spec, full_spec, bias_spec, full_spec, bias_spec],
        out_specs=row_spec,
    )(p0, p1, x, w1, b1.reshape(1, d), w2, b2.reshape(1, d))


def kernel(x, edge_index, edge_weight, W1, b1, W2, b2):
    n, d = x.shape
    e = edge_weight.shape[0]
    nw = NC * NS
    e_pad = nw * N_CHUNKS * CHUNK
    src = edge_index[0].astype(jnp.int32)
    dst = edge_index[1].astype(jnp.int32)
    w = edge_weight.astype(jnp.float32)
    pad = e_pad - e
    ppw = pad // nw
    npad_rows = ((n + 8 * NS - 1) // (8 * NS)) * (8 * NS) - n
    pad_dst = jnp.tile(n + (jnp.arange(ppw, dtype=jnp.int32) % npad_rows), (nw, 1))
    src3 = jnp.concatenate(
        [src.reshape(nw, -1), jnp.zeros((nw, ppw), jnp.int32)], axis=1
    ).reshape(nw, N_CHUNKS, CHUNK)
    dst3 = jnp.concatenate(
        [dst.reshape(nw, -1), pad_dst], axis=1
    ).reshape(nw, N_CHUNKS, CHUNK)
    w3 = jnp.concatenate(
        [w.reshape(nw, -1), jnp.zeros((nw, ppw), jnp.float32)], axis=1
    ).reshape(nw, N_CHUNKS, CHUNK)
    pflat = _sc_propagate(x, src3, dst3, w3)
    npad = pflat.shape[0] // NC
    return _tc_dense(pflat[:n], pflat[npad:npad + n], x, W1, b1, W2, b2)

# --- scband reference (transcript-rebuilt; emitter-appended) ---
"""Pipeline reference for scband-gnnconv-66743791779980 (READ-ONLY COPY).

The authoritative reference and input builder live on the scoring server;
editing this copy changes nothing except your own understanding.
"""

import jax, jax.numpy as jnp
import numpy as np

N_NODES = 10000
N_EDGES = 320000
D = 128

def setup_inputs(seed: int = 0) -> dict:
    key = jax.random.key(seed)
    k1, k2, k3, k4, k5, k6, k7 = jax.random.split(key, 7)
    x = jax.random.normal(k1, (N_NODES, D), dtype=jnp.float32)
    edge_index = jax.random.randint(k2, (2, N_EDGES), 0, N_NODES, dtype=jnp.int64)
    edge_weight = jax.random.uniform(k3, (N_EDGES,), dtype=jnp.float32)
    # Linear layer params (PyTorch Linear: y = x @ W.T + b), Kaiming-uniform-ish init
    bound = 1.0 / np.sqrt(D)
    W1 = jax.random.uniform(k4, (D, D), minval=-bound, maxval=bound, dtype=jnp.float32)
    b1 = jax.random.uniform(k5, (D,), minval=-bound, maxval=bound, dtype=jnp.float32)
    W2 = jax.random.uniform(k6, (D, D), minval=-bound, maxval=bound, dtype=jnp.float32)
    b2 = jax.random.uniform(k7, (D,), minval=-bound, maxval=bound, dtype=jnp.float32)
    return {"x": x, "edge_index": edge_index, "edge_weight": edge_weight,
            "W1": W1, "b1": b1, "W2": W2, "b2": b2}

def reference(x, edge_index, edge_weight, W1, b1, W2, b2):
    # BiGNNConv.forward with aggr='add':
    #   x_prop = propagate(edge_index, x=x, edge_weight=edge_weight)
    #     message: edge_weight.view(-1,1) * x_j  (x_j = x[src]); aggregated at dst
    src = edge_index[0]
    dst = edge_index[1]
    msgs = edge_weight[:, None] * jnp.take(x, src, axis=0)
    x_prop = jax.ops.segment_sum(msgs, dst, num_segments=x.shape[0])
    # x_trans = lin1(x_prop + x); x_inter = lin2(x_prop * x)
    x_trans = (x_prop + x) @ W1.T + b1
    x_inter = (x_prop * x) @ W2.T + b2
    out = x_trans + x_inter
    # GNNConv wraps with ReLU
    return jax.nn.relu(out)

if __name__ == "__main__":
    import jax
    _d = setup_inputs()
    print(jax.jit(kernel)(*tuple(_d.values())))

</pallas_src>

<mosaic_0001>
#map = affine_map<(d0, d1) -> (0, 0)>
#map1 = affine_map<(d0, d1) -> (0, 0, 0)>
module attributes {stable_mosaic.version = 14 : i64} {
  func.func @k(%arg0: i32, %arg1: i32, %arg2: memref<10000x128xf32, #tpu.memory_space<hbm>>, %arg3: memref<32x80x128xi32, #tpu.memory_space<hbm>>, %arg4: memref<32x80x128xi32, #tpu.memory_space<hbm>>, %arg5: memref<32x80x128xf32, #tpu.memory_space<hbm>>, %arg6: memref<20224x128xf32, #tpu.memory_space<hbm>>, %arg7: memref<128xi32, #tpu.memory_space<vmem>>, %arg8: memref<128xi32, #tpu.memory_space<vmem>>, %arg9: memref<128xf32, #tpu.memory_space<vmem>>, %arg10: memref<128x128xf32, #tpu.memory_space<vmem>>, %arg11: memref<128x128xf32, #tpu.memory_space<vmem>>, %arg12: memref<10112x128xf32, #tpu.memory_space<vmem_shared>>, %arg13: memref<!tpu.dma_semaphore, #tpu.memory_space<semaphore_mem>>, %arg14: memref<!tpu.dma_semaphore, #tpu.memory_space<semaphore_mem>>, %arg15: memref<!tpu.dma_semaphore, #tpu.memory_space<semaphore_mem>>, %arg16: memref<!tpu.dma_semaphore, #tpu.memory_space<semaphore_mem>>) attributes {dimension_semantics = [#tpu.dimension_semantics<core_parallel>, #tpu.dimension_semantics<subcore_parallel>], iteration_bounds = array<i64: 2, 16>, scalar_prefetch = 0 : i64, scratch_operands = 10 : i64, tpu.core_type = #tpu.core_type<sc_vector_subcore>, window_params = [{transform_indices = #map}, {transform_indices = #map1}, {transform_indices = #map1}, {transform_indices = #map1}, {transform_indices = #map}]} {
    %mul3A = arith.constant 16 : i32
    %mul3A_0 = arith.muli %arg0, %mul3A : i32
    %add3A = arith.addi %mul3A_0, %arg1 : i32
    %scan3A = arith.constant 0 : i32
    %scan3A_1 = arith.constant 0 : i32
    %scan3A_2 = arith.constant 128 : i32
    %scan3A_3 = arith.addi %scan3A_1, %scan3A_2 : i32
    %scan3A_4 = arith.constant 1 : i32
    %scan3A_5 = scf.for %scan3A_30 = %scan3A_1 to %scan3A_3 step %scan3A_4 iter_args(%scan3A_31 = %scan3A) -> (i32)  : i32 {
      %broadcast_in_dim3A = arith.constant 0.000000e+00 : f32
      %broadcast_in_dim3A_32 = vector.broadcast %broadcast_in_dim3A : f32 to vector<16xf32>
      %swap3A = arith.index_cast %scan3A_30 : i32 to index
      %swap3A_33 = arith.constant 0 : index
      %swap3A_34 = tpu.vector_load %arg10[%swap3A, %swap3A_33] {strides = array<i32>} : memref<128x128xf32, #tpu.memory_space<vmem>>, vector<16xf32>,
      tpu.vector_store %arg10[%swap3A, %swap3A_33], %broadcast_in_dim3A_32 {strides = array<i32>} : memref<128x128xf32, #tpu.memory_space<vmem>>, vector<16xf32>,
      %broadcast_in_dim3A_35 = arith.constant 0.000000e+00 : f32
      %broadcast_in_dim3A_36 = vector.broadcast %broadcast_in_dim3A_35 : f32 to vector<16xf32>
      %swap3A_37 = arith.index_cast %scan3A_30 : i32 to index
      %swap3A_38 = arith.constant 16 : index
      %swap3A_39 = tpu.vector_load %arg10[%swap3A_37, %swap3A_38] {strides = array<i32>} : memref<128x128xf32, #tpu.memory_space<vmem>>, vector<16xf32>,
      tpu.vector_store %arg10[%swap3A_37, %swap3A_38], %broadcast_in_dim3A_36 {strides = array<i32>} : memref<128x128xf32, #tpu.memory_space<vmem>>, vector<16xf32>,
      %broadcast_in_dim3A_40 = arith.constant 0.000000e+00 : f32
      %broadcast_in_dim3A_41 = vector.broadcast %broadcast_in_dim3A_40 : f32 to vector<16xf32>
      %swap3A_42 = arith.index_cast %scan3A_30 : i32 to index
      %swap3A_43 = arith.constant 32 : index
      %swap3A_44 = tpu.vector_load %arg10[%swap3A_42, %swap3A_43] {strides = array<i32>} : memref<128x128xf32, #tpu.memory_space<vmem>>, vector<16xf32>,
      tpu.vector_store %arg10[%swap3A_42, %swap3A_43], %broadcast_in_dim3A_41 {strides = array<i32>} : memref<128x128xf32, #tpu.memory_space<vmem>>, vector<16xf32>,
      %broadcast_in_dim3A_45 = arith.constant 0.000000e+00 : f32
      %broadcast_in_dim3A_46 = vector.broadcast %broadcast_in_dim3A_45 : f32 to vector<16xf32>
      %swap3A_47 = arith.index_cast %scan3A_30 : i32 to index
      %swap3A_48 = arith.constant 48 : index
      %swap3A_49 = tpu.vector_load %arg10[%swap3A_47, %swap3A_48] {strides = array<i32>} : memref<128x128xf32, #tpu.memory_space<vmem>>, vector<16xf32>,
      tpu.vector_store %arg10[%swap3A_47, %swap3A_48], %broadcast_in_dim3A_46 {strides = array<i32>} : memref<128x128xf32, #tpu.memory_space<vmem>>, vector<16xf32>,
      %broadcast_in_dim3A_50 = arith.constant 0.000000e+00 : f32
      %broadcast_in_dim3A_51 = vector.broadcast %broadcast_in_dim3A_50 : f32 to vector<16xf32>
      %swap3A_52 = arith.index_cast %scan3A_30 : i32 to index
      %swap3A_53 = arith.constant 64 : index
      %swap3A_54 = tpu.vector_load %arg10[%swap3A_52, %swap3A_53] {strides = array<i32>} : memref<128x128xf32, #tpu.memory_space<vmem>>, vector<16xf32>,
      tpu.vector_store %arg10[%swap3A_52, %swap3A_53], %broadcast_in_dim3A_51 {strides = array<i32>} : memref<128x128xf32, #tpu.memory_space<vmem>>, vector<16xf32>,
      %broadcast_in_dim3A_55 = arith.constant 0.000000e+00 : f32
      %broadcast_in_dim3A_56 = vector.broadcast %broadcast_in_dim3A_55 : f32 to vector<16xf32>
      %swap3A_57 = arith.index_cast %scan3A_30 : i32 to index
      %swap3A_58 = arith.constant 80 : index
      %swap3A_59 = tpu.vector_load %arg10[%swap3A_57, %swap3A_58] {strides = array<i32>} : memref<128x128xf32, #tpu.memory_space<vmem>>, vector<16xf32>,
      tpu.vector_store %arg10[%swap3A_57, %swap3A_58], %broadcast_in_dim3A_56 {strides = array<i32>} : memref<128x128xf32, #tpu.memory_space<vmem>>, vector<16xf32>,
      %broadcast_in_dim3A_60 = arith.constant 0.000000e+00 : f32
      %broadcast_in_dim3A_61 = vector.broadcast %broadcast_in_dim3A_60 : f32 to vector<16xf32>
      %swap3A_62 = arith.index_cast %scan3A_30 : i32 to index
      %swap3A_63 = arith.constant 96 : index
      %swap3A_64 = tpu.vector_load %arg10[%swap3A_62, %swap3A_63] {strides = array<i32>} : memref<128x128xf32, #tpu.memory_space<vmem>>, vector<16xf32>,
      tpu.vector_store %arg10[%swap3A_62, %swap3A_63], %broadcast_in_dim3A_61 {strides = array<i32>} : memref<128x128xf32, #tpu.memory_space<vmem>>, vector<16xf32>,
      %broadcast_in_dim3A_65 = arith.constant 0.000000e+00 : f32
      %broadcast_in_dim3A_66 = vector.broadcast %broadcast_in_dim3A_65 : f32 to vector<16xf32>
      %swap3A_67 = arith.index_cast %scan3A_30 : i32 to index
      %swap3A_68 = arith.constant 112 : index
      %swap3A_69 = tpu.vector_load %arg10[%swap3A_67, %swap3A_68] {strides = array<i32>} : memref<128x128xf32, #tpu.memory_space<vmem>>, vector<16xf32>,
      tpu.vector_store %arg10[%swap3A_67, %swap3A_68], %broadcast_in_dim3A_66 {strides = array<i32>} : memref<128x128xf32, #tpu.memory_space<vmem>>, vector<16xf32>,
      %scan3A_70 = arith.constant 0 : i32
      scf.yield %scan3A_70 : i32
    }
    %scan3A_6 = arith.constant 128 : i32
    %mul3A_7 = arith.constant 632 : i32
    %mul3A_8 = arith.muli %arg1, %mul3A_7 : i32
    %add3A_9 = arith.constant 0 : i32
    %add3A_10 = arith.addi %mul3A_8, %add3A_9 : i32
    "tpu.region"() ({
      %run_scoped3A = tpu.sem_alloc : memref<!tpu.dma_semaphore, #tpu.memory_space<semaphore_mem>>
      %dma_start3A = arith.constant 0 : i32
      %dma_start3A_30 = tpu.memref_slice %arg12[%add3A_10, %dma_start3A] : memref<10112x128xf32, #tpu.memory_space<vmem_shared>> -> memref<128x128xf32, #tpu.memory_space<vmem_shared>>
      %dma_start3A_31 = arith.constant 0 : i32
      %dma_start3A_32 = tpu.memref_slice %arg12[%add3A_10, %dma_start3A_31] : memref<10112x128xf32, #tpu.memory_space<vmem_shared>> -> memref<128x128xf32, #tpu.memory_space<vmem_shared>>
      tpu.enqueue_dma source(%arg10 : memref<128x128xf32, #tpu.memory_space<vmem>>) target(%dma_start3A_32 : memref<128x128xf32, #tpu.memory_space<vmem_shared>>) target_semaphore(%run_scoped3A : memref<!tpu.dma_semaphore, #tpu.memory_space<semaphore_mem>>)
      %dma_wait3A = arith.constant 0 : i32
      %dma_wait3A_33 = tpu.memref_slice %arg12[%add3A_10, %dma_wait3A] : memref<10112x128xf32, #tpu.memory_space<vmem_shared>> -> memref<128x128xf32, #tpu.memory_space<vmem_shared>>
      %dma_wait3A_34 = arith.constant 0 : i32
      %dma_wait3A_35 = tpu.memref_slice %arg12[%add3A_10, %dma_wait3A_34] : memref<10112x128xf32, #tpu.memory_space<vmem_shared>> -> memref<128x128xf32, #tpu.memory_space<vmem_shared>>
      tpu.wait_dma2 semaphore(%run_scoped3A : memref<!tpu.dma_semaphore, #tpu.memory_space<semaphore_mem>>) src(%arg10 : memref<128x128xf32, #tpu.memory_space<vmem>>) dst(%dma_wait3A_35 : memref<128x128xf32, #tpu.memory_space<vmem_shared>>)
      tpu.yield
    }) : () -> ()
    %add3A_11 = arith.constant 128 : i32
    %add3A_12 = arith.addi %mul3A_8, %add3A_11 : i32
    "tpu.region"() ({
      %run_scoped3A = tpu.sem_alloc : memref<!tpu.dma_semaphore, #tpu.memory_space<semaphore_mem>>
      %dma_start3A = arith.constant 0 : i32
      %dma_start3A_30 = tpu.memref_slice %arg12[%add3A_12, %dma_start3A] : memref<10112x128xf32, #tpu.memory_space<vmem_shared>> -> memref<128x128xf32, #tpu.memory_space<vmem_shared>>
      %dma_start3A_31 = arith.constant 0 : i32
      %dma_start3A_32 = tpu.memref_slice %arg12[%add3A_12, %dma_start3A_31] : memref<10112x128xf32, #tpu.memory_space<vmem_shared>> -> memref<128x128xf32, #tpu.memory_space<vmem_shared>>
      tpu.enqueue_dma source(%arg10 : memref<128x128xf32, #tpu.memory_space<vmem>>) target(%dma_start3A_32 : memref<128x128xf32, #tpu.memory_space<vmem_shared>>) target_semaphore(%run_scoped3A : memref<!tpu.dma_semaphore, #tpu.memory_space<semaphore_mem>>)
      %dma_wait3A = arith.constant 0 : i32
      %dma_wait3A_33 = tpu.memref_slice %arg12[%add3A_12, %dma_wait3A] : memref<10112x128xf32, #tpu.memory_space<vmem_shared>> -> memref<128x128xf32, #tpu.memory_space<vmem_shared>>
      %dma_wait3A_34 = arith.constant 0 : i32
      %dma_wait3A_35 = tpu.memref_slice %arg12[%add3A_12, %dma_wait3A_34] : memref<10112x128xf32, #tpu.memory_space<vmem_shared>> -> memref<128x128xf32, #tpu.memory_space<vmem_shared>>
      tpu.wait_dma2 semaphore(%run_scoped3A : memref<!tpu.dma_semaphore, #tpu.memory_space<semaphore_mem>>) src(%arg10 : memref<128x128xf32, #tpu.memory_space<vmem>>) dst(%dma_wait3A_35 : memref<128x128xf32, #tpu.memory_space<vmem_shared>>)
      tpu.yield
    }) : () -> ()
    %add3A_13 = arith.constant 256 : i32
    %add3A_14 = arith.addi %mul3A_8, %add3A_13 : i32
    "tpu.region"() ({
      %run_scoped3A = tpu.sem_alloc : memref<!tpu.dma_semaphore, #tpu.memory_space<semaphore_mem>>
      %dma_start3A = arith.constant 0 : i32
      %dma_start3A_30 = tpu.memref_slice %arg12[%add3A_14, %dma_start3A] : memref<10112x128xf32, #tpu.memory_space<vmem_shared>> -> memref<128x128xf32, #tpu.memory_space<vmem_shared>>
      %dma_start3A_31 = arith.constant 0 : i32
      %dma_start3A_32 = tpu.memref_slice %arg12[%add3A_14, %dma_start3A_31] : memref<10112x128xf32, #tpu.memory_space<vmem_shared>> -> memref<128x128xf32, #tpu.memory_space<vmem_shared>>
      tpu.enqueue_dma source(%arg10 : memref<128x128xf32, #tpu.memory_space<vmem>>) target(%dma_start3A_32 : memref<128x128xf32, #tpu.memory_space<vmem_shared>>) target_semaphore(%run_scoped3A : memref<!tpu.dma_semaphore, #tpu.memory_space<semaphore_mem>>)
      %dma_wait3A = arith.constant 0 : i32
      %dma_wait3A_33 = tpu.memref_slice %arg12[%add3A_14, %dma_wait3A] : memref<10112x128xf32, #tpu.memory_space<vmem_shared>> -> memref<128x128xf32, #tpu.memory_space<vmem_shared>>
      %dma_wait3A_34 = arith.constant 0 : i32
      %dma_wait3A_35 = tpu.memref_slice %arg12[%add3A_14, %dma_wait3A_34] : memref<10112x128xf32, #tpu.memory_space<vmem_shared>> -> memref<128x128xf32, #tpu.memory_space<vmem_shared>>
      tpu.wait_dma2 semaphore(%run_scoped3A : memref<!tpu.dma_semaphore, #tpu.memory_space<semaphore_mem>>) src(%arg10 : memref<128x128xf32, #tpu.memory_space<vmem>>) dst(%dma_wait3A_35 : memref<128x128xf32, #tpu.memory_space<vmem_shared>>)
      tpu.yield
    }) : () -> ()
    %add3A_15 = arith.constant 384 : i32
    %add3A_16 = arith.addi %mul3A_8, %add3A_15 : i32
    "tpu.region"() ({
      %run_scoped3A = tpu.sem_alloc : memref<!tpu.dma_semaphore, #tpu.memory_space<semaphore_mem>>
      %dma_start3A = arith.constant 0 : i32
      %dma_start3A_30 = tpu.memref_slice %arg12[%add3A_16, %dma_start3A] : memref<10112x128xf32, #tpu.memory_space<vmem_shared>> -> memref<128x128xf32, #tpu.memory_space<vmem_shared>>
      %dma_start3A_31 = arith.constant 0 : i32
      %dma_start3A_32 = tpu.memref_slice %arg12[%add3A_16, %dma_start3A_31] : memref<10112x128xf32, #tpu.memory_space<vmem_shared>> -> memref<128x128xf32, #tpu.memory_space<vmem_shared>>
      tpu.enqueue_dma source(%arg10 : memref<128x128xf32, #tpu.memory_space<vmem>>) target(%dma_start3A_32 : memref<128x128xf32, #tpu.memory_space<vmem_shared>>) target_semaphore(%run_scoped3A : memref<!tpu.dma_semaphore, #tpu.memory_space<semaphore_mem>>)
      %dma_wait3A = arith.constant 0 : i32
      %dma_wait3A_33 = tpu.memref_slice %arg12[%add3A_16, %dma_wait3A] : memref<10112x128xf32, #tpu.memory_space<vmem_shared>> -> memref<128x128xf32, #tpu.memory_space<vmem_shared>>
      %dma_wait3A_34 = arith.constant 0 : i32
      %dma_wait3A_35 = tpu.memref_slice %arg12[%add3A_16, %dma_wait3A_34] : memref<10112x128xf32, #tpu.memory_space<vmem_shared>> -> memref<128x128xf32, #tpu.memory_space<vmem_shared>>
      tpu.wait_dma2 semaphore(%run_scoped3A : memref<!tpu.dma_semaphore, #tpu.memory_space<semaphore_mem>>) src(%arg10 : memref<128x128xf32, #tpu.memory_space<vmem>>) dst(%dma_wait3A_35 : memref<128x128xf32, #tpu.memory_space<vmem_shared>>)
      tpu.yield
    }) : () -> ()
    %add3A_17 = arith.constant 512 : i32
    %add3A_18 = arith.addi %mul3A_8, %add3A_17 : i32
    "tpu.region"() ({
      %run_scoped3A = tpu.sem_alloc : memref<!tpu.dma_semaphore, #tpu.memory_space<semaphore_mem>>
      %dma_start3A = arith.constant 0 : i32
      %dma_start3A_30 = arith.constant 0 : i32
      %dma_start3A_31 = tpu.memref_slice %arg10[%dma_start3A, %dma_start3A_30] : memref<128x128xf32, #tpu.memory_space<vmem>> -> memref<120x128xf32, #tpu.memory_space<vmem>>
      %dma_start3A_32 = arith.constant 0 : i32
      %dma_start3A_33 = tpu.memref_slice %arg12[%add3A_18, %dma_start3A_32] : memref<10112x128xf32, #tpu.memory_space<vmem_shared>> -> memref<120x128xf32, #tpu.memory_space<vmem_shared>>
      %dma_start3A_34 = arith.constant 0 : i32
      %dma_start3A_35 = tpu.memref_slice %arg12[%add3A_18, %dma_start3A_34] : memref<10112x128xf32, #tpu.memory_space<vmem_shared>> -> memref<120x128xf32, #tpu.memory_space<vmem_shared>>
      %dma_start3A_36 = arith.constant 0 : i32
      %dma_start3A_37 = arith.constant 0 : i32
      %dma_start3A_38 = tpu.memref_slice %arg10[%dma_start3A_36, %dma_start3A_37] : memref<128x128xf32, #tpu.memory_space<vmem>> -> memref<120x128xf32, #tpu.memory_space<vmem>>
      tpu.enqueue_dma source(%dma_start3A_38 : memref<120x128xf32, #tpu.memory_space<vmem>>) target(%dma_start3A_35 : memref<120x128xf32, #tpu.memory_space<vmem_shared>>) target_semaphore(%run_scoped3A : memref<!tpu.dma_semaphore, #tpu.memory_space<semaphore_mem>>)
      %dma_wait3A = arith.constant 0 : i32
      %dma_wait3A_39 = arith.constant 0 : i32
      %dma_wait3A_40 = tpu.memref_slice %arg10[%dma_wait3A, %dma_wait3A_39] : memref<128x128xf32, #tpu.memory_space<vmem>> -> memref<120x128xf32, #tpu.memory_space<vmem>>
      %dma_wait3A_41 = arith.constant 0 : i32
      %dma_wait3A_42 = tpu.memref_slice %arg12[%add3A_18, %dma_wait3A_41] : memref<10112x128xf32, #tpu.memory_space<vmem_shared>> -> memref<120x128xf32, #tpu.memory_space<vmem_shared>>
      %dma_wait3A_43 = arith.constant 0 : i32
      %dma_wait3A_44 = tpu.memref_slice %arg12[%add3A_18, %dma_wait3A_43] : memref<10112x128xf32, #tpu.memory_space<vmem_shared>> -> memref<120x128xf32, #tpu.memory_space<vmem_shared>>
      %dma_wait3A_45 = arith.constant 0 : i32
      %dma_wait3A_46 = arith.constant 0 : i32
      %dma_wait3A_47 = tpu.memref_slice %arg10[%dma_wait3A_45, %dma_wait3A_46] : memref<128x128xf32, #tpu.memory_space<vmem>> -> memref<120x128xf32, #tpu.memory_space<vmem>>
      tpu.wait_dma2 semaphore(%run_scoped3A : memref<!tpu.dma_semaphore, #tpu.memory_space<semaphore_mem>>) src(%dma_wait3A_47 : memref<120x128xf32, #tpu.memory_space<vmem>>) dst(%dma_wait3A_44 : memref<120x128xf32, #tpu.memory_space<vmem_shared>>)
      tpu.yield
    }) : () -> ()
    %barrier3A = arith.constant 0 : index
    tpu.barrier barrier_id(%barrier3A)
    %scan3A_19 = arith.constant 0 : i32
    %scan3A_20 = arith.constant 0 : i32
    %scan3A_21 = arith.constant 80 : i32
    %scan3A_22 = arith.addi %scan3A_20, %scan3A_21 : i32
    %scan3A_23 = arith.constant 1 : i32
    %scan3A_24 = scf.for %scan3A_30 = %scan3A_20 to %scan3A_22 step %scan3A_23 iter_args(%scan3A_31 = %scan3A_19) -> (i32)  : i32 {
      "tpu.region"() ({
        %run_scoped3A = tpu.sem_alloc : memref<!tpu.dma_semaphore, #tpu.memory_space<semaphore_mem>>
        %dma_start3A_44 = arith.constant 0 : i32
        %dma_start3A_45 = tpu.memref_slice %arg3[%add3A, %scan3A_30, %dma_start3A_44] : memref<32x80x128xi32, #tpu.memory_space<hbm>> -> memref<1x1x128xi32, #tpu.memory_space<hbm>>
        %dma_start3A_46 = tpu.memref_squeeze %dma_start3A_45 : memref<1x1x128xi32, #tpu.memory_space<hbm>> -> memref<128xi32, #tpu.memory_space<hbm>>
        %dma_start3A_47 = arith.constant 0 : i32
        %dma_start3A_48 = tpu.memref_slice %arg3[%add3A, %scan3A_30, %dma_start3A_47] : memref<32x80x128xi32, #tpu.memory_space<hbm>> -> memref<1x1x128xi32, #tpu.memory_space<hbm>>
        %dma_start3A_49 = tpu.memref_squeeze %dma_start3A_48 : memref<1x1x128xi32, #tpu.memory_space<hbm>> -> memref<128xi32, #tpu.memory_space<hbm>>
        tpu.enqueue_dma source(%dma_start3A_49 : memref<128xi32, #tpu.memory_space<hbm>>) target(%arg7 : memref<128xi32, #tpu.memory_space<vmem>>) target_semaphore(%run_scoped3A : memref<!tpu.dma_semaphore, #tpu.memory_space<semaphore_mem>>)
        %dma_wait3A_50 = arith.constant 0 : i32
        %dma_wait3A_51 = tpu.memref_slice %arg3[%add3A, %scan3A_30, %dma_wait3A_50] : memref<32x80x128xi32, #tpu.memory_space<hbm>> -> memref<1x1x128xi32, #tpu.memory_space<hbm>>
        %dma_wait3A_52 = tpu.memref_squeeze %dma_wait3A_51 : memref<1x1x128xi32, #tpu.memory_space<hbm>> -> memref<128xi32, #tpu.memory_space<hbm>>
        %dma_wait3A_53 = arith.constant 0 : i32
        %dma_wait3A_54 = tpu.memref_slice %arg3[%add3A, %scan3A_30, %dma_wait3A_53] : memref<32x80x128xi32, #tpu.memory_space<hbm>> -> memref<1x1x128xi32, #tpu.memory_space<hbm>>
        %dma_wait3A_55 = tpu.memref_squeeze %dma_wait3A_54 : memref<1x1x128xi32, #tpu.memory_space<hbm>> -> memref<128xi32, #tpu.memory_space<hbm>>
        tpu.wait_dma2 semaphore(%run_scoped3A : memref<!tpu.dma_semaphore, #tpu.memory_space<semaphore_mem>>) src(%dma_wait3A_55 : memref<128xi32, #tpu.memory_space<hbm>>) dst(%arg7 : memref<128xi32, #tpu.memory_space<vmem>>)
        tpu.yield
      }) : () -> ()
      "tpu.region"() ({
        %run_scoped3A = tpu.sem_alloc : memref<!tpu.dma_semaphore, #tpu.memory_space<semaphore_mem>>
        %dma_start3A_44 = arith.constant 0 : i32
        %dma_start3A_45 = tpu.memref_slice %arg4[%add3A, %scan3A_30, %dma_start3A_44] : memref<32x80x128xi32, #tpu.memory_space<hbm>> -> memref<1x1x128xi32, #tpu.memory_space<hbm>>
        %dma_start3A_46 = tpu.memref_squeeze %dma_start3A_45 : memref<1x1x128xi32, #tpu.memory_space<hbm>> -> memref<128xi32, #tpu.memory_space<hbm>>
        %dma_start3A_47 = arith.constant 0 : i32
        %dma_start3A_48 = tpu.memref_slice %arg4[%add3A, %scan3A_30, %dma_start3A_47] : memref<32x80x128xi32, #tpu.memory_space<hbm>> -> memref<1x1x128xi32, #tpu.memory_space<hbm>>
        %dma_start3A_49 = tpu.memref_squeeze %dma_start3A_48 : memref<1x1x128xi32, #tpu.memory_space<hbm>> -> memref<128xi32, #tpu.memory_space<hbm>>
        tpu.enqueue_dma source(%dma_start3A_49 : memref<128xi32, #tpu.memory_space<hbm>>) target(%arg8 : memref<128xi32, #tpu.memory_space<vmem>>) target_semaphore(%run_scoped3A : memref<!tpu.dma_semaphore, #tpu.memory_space<semaphore_mem>>)
        %dma_wait3A_50 = arith.constant 0 : i32
        %dma_wait3A_51 = tpu.memref_slice %arg4[%add3A, %scan3A_30, %dma_wait3A_50] : memref<32x80x128xi32, #tpu.memory_space<hbm>> -> memref<1x1x128xi32, #tpu.memory_space<hbm>>
        %dma_wait3A_52 = tpu.memref_squeeze %dma_wait3A_51 : memref<1x1x128xi32, #tpu.memory_space<hbm>> -> memref<128xi32, #tpu.memory_space<hbm>>
        %dma_wait3A_53 = arith.constant 0 : i32
        %dma_wait3A_54 = tpu.memref_slice %arg4[%add3A, %scan3A_30, %dma_wait3A_53] : memref<32x80x128xi32, #tpu.memory_space<hbm>> -> memref<1x1x128xi32, #tpu.memory_space<hbm>>
        %dma_wait3A_55 = tpu.memref_squeeze %dma_wait3A_54 : memref<1x1x128xi32, #tpu.memory_space<hbm>> -> memref<128xi32, #tpu.memory_space<hbm>>
        tpu.wait_dma2 semaphore(%run_scoped3A : memref<!tpu.dma_semaphore, #tpu.memory_space<semaphore_mem>>) src(%dma_wait3A_55 : memref<128xi32, #tpu.memory_space<hbm>>) dst(%arg8 : memref<128xi32, #tpu.memory_space<vmem>>)
        tpu.yield
      }) : () -> ()
      "tpu.region"() ({
        %run_scoped3A = tpu.sem_alloc : memref<!tpu.dma_semaphore, #tpu.memory_space<semaphore_mem>>
        %dma_start3A_44 = arith.constant 0 : i32
        %dma_start3A_45 = tpu.memref_slice %arg5[%add3A, %scan3A_30, %dma_start3A_44] : memref<32x80x128xf32, #tpu.memory_space<hbm>> -> memref<1x1x128xf32, #tpu.memory_space<hbm>>
        %dma_start3A_46 = tpu.memref_squeeze %dma_start3A_45 : memref<1x1x128xf32, #tpu.memory_space<hbm>> -> memref<128xf32, #tpu.memory_space<hbm>>
        %dma_start3A_47 = arith.constant 0 : i32
        %dma_start3A_48 = tpu.memref_slice %arg5[%add3A, %scan3A_30, %dma_start3A_47] : memref<32x80x128xf32, #tpu.memory_space<hbm>> -> memref<1x1x128xf32, #tpu.memory_space<hbm>>
        %dma_start3A_49 = tpu.memref_squeeze %dma_start3A_48 : memref<1x1x128xf32, #tpu.memory_space<hbm>> -> memref<128xf32, #tpu.memory_space<hbm>>
        tpu.enqueue_dma source(%dma_start3A_49 : memref<128xf32, #tpu.memory_space<hbm>>) target(%arg9 : memref<128xf32, #tpu.memory_space<vmem>>) target_semaphore(%run_scoped3A : memref<!tpu.dma_semaphore, #tpu.memory_space<semaphore_mem>>)
        %dma_wait3A_50 = arith.constant 0 : i32
        %dma_wait3A_51 = tpu.memref_slice %arg5[%add3A, %scan3A_30, %dma_wait3A_50] : memref<32x80x128xf32, #tpu.memory_space<hbm>> -> memref<1x1x128xf32, #tpu.memory_space<hbm>>
        %dma_wait3A_52 = tpu.memref_squeeze %dma_wait3A_51 : memref<1x1x128xf32, #tpu.memory_space<hbm>> -> memref<128xf32, #tpu.memory_space<hbm>>
        %dma_wait3A_53 = arith.constant 0 : i32
        %dma_wait3A_54 = tpu.memref_slice %arg5[%add3A, %scan3A_30, %dma_wait3A_53] : memref<32x80x128xf32, #tpu.memory_space<hbm>> -> memref<1x1x128xf32, #tpu.memory_space<hbm>>
        %dma_wait3A_55 = tpu.memref_squeeze %dma_wait3A_54 : memref<1x1x128xf32, #tpu.memory_space<hbm>> -> memref<128xf32, #tpu.memory_space<hbm>>
        tpu.wait_dma2 semaphore(%run_scoped3A : memref<!tpu.dma_semaphore, #tpu.memory_space<semaphore_mem>>) src(%dma_wait3A_55 : memref<128xf32, #tpu.memory_space<hbm>>) dst(%arg9 : memref<128xf32, #tpu.memory_space<vmem>>)
        tpu.yield
      }) : () -> ()
      %dma_start3A = arith.constant 0 : i32
      %dma_start3A_32 = arith.constant 0 : i32
      %dma_start3A_33 = tpu.memref_slice %arg2[%dma_start3A, %dma_start3A_32] : memref<10000x128xf32, #tpu.memory_space<hbm>> -> memref<10000x128xf32, #tpu.memory_space<hbm>>
      tpu.enqueue_indirect_dma source(%dma_start3A_33 : memref<10000x128xf32, #tpu.memory_space<hbm>>) target(%arg10 : memref<128x128xf32, #tpu.memory_space<vmem>>) offsets(%arg7 : memref<128xi32, #tpu.memory_space<vmem>>) semaphore(%arg13 : memref<!tpu.dma_semaphore, #tpu.memory_space<semaphore_mem>>)
      %dma_wait3A = arith.constant 0 : i32
      %dma_wait3A_34 = arith.constant 0 : i32
      %dma_wait3A_35 = tpu.memref_slice %arg2[%dma_wait3A, %dma_wait3A_34] : memref<10000x128xf32, #tpu.memory_space<hbm>> -> memref<10000x128xf32, #tpu.memory_space<hbm>>
      tpu.wait_indirect_dma semaphore(%arg13 : memref<!tpu.dma_semaphore, #tpu.memory_space<semaphore_mem>>) src(%dma_wait3A_35 : memref<10000x128xf32, #tpu.memory_space<hbm>>) dst(%arg10 : memref<128x128xf32, #tpu.memory_space<vmem>>)
      %scan3A_36 = arith.constant 0 : i32
      %scan3A_37 = arith.constant 0 : i32
      %scan3A_38 = arith.constant 32 : i32
      %scan3A_39 = arith.addi %scan3A_37, %scan3A_38 : i32
      %scan3A_40 = arith.constant 1 : i32
      %scan3A_41 = scf.for %scan3A_44 = %scan3A_37 to %scan3A_39 step %scan3A_40 iter_args(%scan3A_45 = %scan3A_36) -> (i32)  : i32 {
        %mul3A_46 = arith.constant 4 : i32
        %mul3A_47 = arith.muli %scan3A_44, %mul3A_46 : i32
        %add3A_48 = arith.constant 0 : i32
        %add3A_49 = arith.addi %mul3A_47, %add3A_48 : i32
        %broadcast_in_dim3A = vector.broadcast %add3A_49 : i32 to vector<16xi32>
        %gather3A = tpu.vector_load_idx %arg9[%broadcast_in_dim3A] : memref<128xf32, #tpu.memory_space<vmem>>[vector<16xi32>], vector<16xf32>,
        %get3A = arith.index_cast %add3A_49 : i32 to index
        %get3A_50 = arith.constant 0 : index
        %get3A_51 = tpu.vector_load %arg10[%get3A, %get3A_50] {strides = array<i32>} : memref<128x128xf32, #tpu.memory_space<vmem>>, vector<16xf32>,
        %mul3A_52 = arith.mulf %get3A_51, %gather3A : vector<16xf32>
        %swap3A = arith.index_cast %add3A_49 : i32 to index
        %swap3A_53 = arith.constant 0 : index
        %swap3A_54 = tpu.vector_load %arg10[%swap3A, %swap3A_53] {strides = array<i32>} : memref<128x128xf32, #tpu.memory_space<vmem>>, vector<16xf32>,
        tpu.vector_store %arg10[%swap3A, %swap3A_53], %mul3A_52 {strides = array<i32>} : memref<128x128xf32, #tpu.memory_space<vmem>>, vector<16xf32>,
        %get3A_55 = arith.index_cast %add3A_49 : i32 to index
        %get3A_56 = arith.constant 16 : index
        %get3A_57 = tpu.vector_load %arg10[%get3A_55, %get3A_56] {strides = array<i32>} : memref<128x128xf32, #tpu.memory_space<vmem>>, vector<16xf32>,
        %mul3A_58 = arith.mulf %get3A_57, %gather3A : vector<16xf32>
        %swap3A_59 = arith.index_cast %add3A_49 : i32 to index
        %swap3A_60 = arith.constant 16 : index
        %swap3A_61 = tpu.vector_load %arg10[%swap3A_59, %swap3A_60] {strides = array<i32>} : memref<128x128xf32, #tpu.memory_space<vmem>>, vector<16xf32>,
        tpu.vector_store %arg10[%swap3A_59, %swap3A_60], %mul3A_58 {strides = array<i32>} : memref<128x128xf32, #tpu.memory_space<vmem>>, vector<16xf32>,
        %get3A_62 = arith.index_cast %add3A_49 : i32 to index
        %get3A_63 = arith.constant 32 : index
        %get3A_64 = tpu.vector_load %arg10[%get3A_62, %get3A_63] {strides = array<i32>} : memref<128x128xf32, #tpu.memory_space<vmem>>, vector<16xf32>,
        %mul3A_65 = arith.mulf %get3A_64, %gather3A : vector<16xf32>
        %swap3A_66 = arith.index_cast %add3A_49 : i32 to index
        %swap3A_67 = arith.constant 32 : index
        %swap3A_68 = tpu.vector_load %arg10[%swap3A_66, %swap3A_67] {strides = array<i32>} : memref<128x128xf32, #tpu.memory_space<vmem>>, vector<16xf32>,
        tpu.vector_store %arg10[%swap3A_66, %swap3A_67], %mul3A_65 {strides = array<i32>} : memref<128x128xf32, #tpu.memory_space<vmem>>, vector<16xf32>,
        %get3A_69 = arith.index_cast %add3A_49 : i32 to index
        %get3A_70 = arith.constant 48 : index
        %get3A_71 = tpu.vector_load %arg10[%get3A_69, %get3A_70] {strides = array<i32>} : memref<128x128xf32, #tpu.memory_space<vmem>>, vector<16xf32>,
        %mul3A_72 = arith.mulf %get3A_71, %gather3A : vector<16xf32>
        %swap3A_73 = arith.index_cast %add3A_49 : i32 to index
        %swap3A_74 = arith.constant 48 : index
        %swap3A_75 = tpu.vector_load %arg10[%swap3A_73, %swap3A_74] {strides = array<i32>} : memref<128x128xf32, #tpu.memory_space<vmem>>, vector<16xf32>,
        tpu.vector_store %arg10[%swap3A_73, %swap3A_74], %mul3A_72 {strides = array<i32>} : memref<128x128xf32, #tpu.memory_space<vmem>>, vector<16xf32>,
        %get3A_76 = arith.index_cast %add3A_49 : i32 to index
        %get3A_77 = arith.constant 64 : index
        %get3A_78 = tpu.vector_load %arg10[%get3A_76, %get3A_77] {strides = array<i32>} : memref<128x128xf32, #tpu.memory_space<vmem>>, vector<16xf32>,
        %mul3A_79 = arith.mulf %get3A_78, %gather3A : vector<16xf32>
        %swap3A_80 = arith.index_cast %add3A_49 : i32 to index
        %swap3A_81 = arith.constant 64 : index
        %swap3A_82 = tpu.vector_load %arg10[%swap3A_80, %swap3A_81] {strides = array<i32>} : memref<128x128xf32, #tpu.memory_space<vmem>>, vector<16xf32>,
        tpu.vector_store %arg10[%swap3A_80, %swap3A_81], %mul3A_79 {strides = array<i32>} : memref<128x128xf32, #tpu.memory_space<vmem>>, vector<16xf32>,
        %get3A_83 = arith.index_cast %add3A_49 : i32 to index
        %get3A_84 = arith.constant 80 : index
        %get3A_85 = tpu.vector_load %arg10[%get3A_83, %get3A_84] {strides = array<i32>} : memref<128x128xf32, #tpu.memory_space<vmem>>, vector<16xf32>,
        %mul3A_86 = arith.mulf %get3A_85, %gather3A : vector<16xf32>
        %swap3A_87 = arith.index_cast %add3A_49 : i32 to index
        %swap3A_88 = arith.constant 80 : index
        %swap3A_89 = tpu.vector_load %arg10[%swap3A_87, %swap3A_88] {strides = array<i32>} : memref<128x128xf32, #tpu.memory_space<vmem>>, vector<16xf32>,
        tpu.vector_store %arg10[%swap3A_87, %swap3A_88], %mul3A_86 {strides = array<i32>} : memref<128x128xf32, #tpu.memory_space<vmem>>, vector<16xf32>,
        %get3A_90 = arith.index_cast %add3A_49 : i32 to index
        %get3A_91 = arith.constant 96 : index
        %get3A_92 = tpu.vector_load %arg10[%get3A_90, %get3A_91] {strides = array<i32>} : memref<128x128xf32, #tpu.memory_space<vmem>>, vector<16xf32>,
        %mul3A_93 = arith.mulf %get3A_92, %gather3A : vector<16xf32>
        %swap3A_94 = arith.index_cast %add3A_49 : i32 to index
        %swap3A_95 = arith.constant 96 : index
        %swap3A_96 = tpu.vector_load %arg10[%swap3A_94, %swap3A_95] {strides = array<i32>} : memref<128x128xf32, #tpu.memory_space<vmem>>, vector<16xf32>,
        tpu.vector_store %arg10[%swap3A_94, %swap3A_95], %mul3A_93 {strides = array<i32>} : memref<128x128xf32, #tpu.memory_space<vmem>>, vector<16xf32>,
        %get3A_97 = arith.index_cast %add3A_49 : i32 to index
        %get3A_98 = arith.constant 112 : index
        %get3A_99 = tpu.vector_load %arg10[%get3A_97, %get3A_98] {strides = array<i32>} : memref<128x128xf32, #tpu.memory_space<vmem>>, vector<16xf32>,
        %mul3A_100 = arith.mulf %get3A_99, %gather3A : vector<16xf32>
        %swap3A_101 = arith.index_cast %add3A_49 : i32 to index
        %swap3A_102 = arith.constant 112 : index
        %swap3A_103 = tpu.vector_load %arg10[%swap3A_101, %swap3A_102] {strides = array<i32>} : memref<128x128xf32, #tpu.memory_space<vmem>>, vector<16xf32>,
        tpu.vector_store %arg10[%swap3A_101, %swap3A_102], %mul3A_100 {strides = array<i32>} : memref<128x128xf32, #tpu.memory_space<vmem>>, vector<16xf32>,
        %mul3A_104 = arith.constant 4 : i32
        %mul3A_105 = arith.muli %scan3A_44, %mul3A_104 : i32
        %add3A_106 = arith.constant 1 : i32
        %add3A_107 = arith.addi %mul3A_105, %add3A_106 : i32
        %broadcast_in_dim3A_108 = vector.broadcast %add3A_107 : i32 to vector<16xi32>
        %gather3A_109 = tpu.vector_load_idx %arg9[%broadcast_in_dim3A_108] : memref<128xf32, #tpu.memory_space<vmem>>[vector<16xi32>], vector<16xf32>,
        %get3A_110 = arith.index_cast %add3A_107 : i32 to index
        %get3A_111 = arith.constant 0 : index
        %get3A_112 = tpu.vector_load %arg10[%get3A_110, %get3A_111] {strides = array<i32>} : memref<128x128xf32, #tpu.memory_space<vmem>>, vector<16xf32>,
        %mul3A_113 = arith.mulf %get3A_112, %gather3A_109 : vector<16xf32>
        %swap3A_114 = arith.index_cast %add3A_107 : i32 to index
        %swap3A_115 = arith.constant 0 : index
        %swap3A_116 = tpu.vector_load %arg10[%swap3A_114, %swap3A_115] {strides = array<i32>} : memref<128x128xf32, #tpu.memory_space<vmem>>, vector<16xf32>,
        tpu.vector_store %arg10[%swap3A_114, %swap3A_115], %mul3A_113 {strides = array<i32>} : memref<128x128xf32, #tpu.memory_space<vmem>>, vector<16xf32>,
        %get3A_117 = arith.index_cast %add3A_107 : i32 to index
        %get3A_118 = arith.constant 16 : index
        %get3A_119 = tpu.vector_load %arg10[%get3A_117, %get3A_118] {strides = array<i32>} : memref<128x128xf32, #tpu.memory_space<vmem>>, vector<16xf32>,
        %mul3A_120 = arith.mulf %get3A_119, %gather3A_109 : vector<16xf32>
        %swap3A_121 = arith.index_cast %add3A_107 : i32 to index
        %swap3A_122 = arith.constant 16 : index
        %swap3A_123 = tpu.vector_load %arg10[%swap3A_121, %swap3A_122] {strides = array<i32>} : memref<128x128xf32, #tpu.memory_space<vmem>>, vector<16xf32>,
        tpu.vector_store %arg10[%swap3A_121, %swap3A_122], %mul3A_120 {strides = array<i32>} : memref<128x128xf32, #tpu.memory_space<vmem>>, vector<16xf32>,
        %get3A_124 = arith.index_cast %add3A_107 : i32 to index
        %get3A_125 = arith.constant 32 : index
        %get3A_126 = tpu.vector_load %arg10[%get3A_124, %get3A_125] {strides = array<i32>} : memref<128x128xf32, #tpu.memory_space<vmem>>, vector<16xf32>,
        %mul3A_127 = arith.mulf %get3A_126, %gather3A_109 : vector<16xf32>
        %swap3A_128 = arith.index_cast %add3A_107 : i32 to index
        %swap3A_129 = arith.constant 32 : index
        %swap3A_130 = tpu.vector_load %arg10[%swap3A_128, %swap3A_129] {strides = array<i32>} : memref<128x128xf32, #tpu.memory_space<vmem>>, vector<16xf32>,
        tpu.vector_store %arg10[%swap3A_128, %swap3A_129], %mul3A_127 {strides = array<i32>} : memref<128x128xf32, #tpu.memory_space<vmem>>, vector<16xf32>,
        %get3A_131 = arith.index_cast %add3A_107 : i32 to index
        %get3A_132 = arith.constant 48 : index
        %get3A_133 = tpu.vector_load %arg10[%get3A_131, %get3A_132] {strides = array<i32>} : memref<128x128xf32, #tpu.memory_space<vmem>>, vector<16xf32>,
        %mul3A_134 = arith.mulf %get3A_133, %gather3A_109 : vector<16xf32>
        %swap3A_135 = arith.index_cast %add3A_107 : i32 to index
        %swap3A_136 = arith.constant 48 : index
        %swap3A_137 = tpu.vector_load %arg10[%swap3A_135, %swap3A_136] {strides = array<i32>} : memref<128x128xf32, #tpu.memory_space<vmem>>, vector<16xf32>,
        tpu.vector_store %arg10[%swap3A_135, %swap3A_136], %mul3A_134 {strides = array<i32>} : memref<128x128xf32, #tpu.memory_space<vmem>>, vector<16xf32>,
        %get3A_138 = arith.index_cast %add3A_107 : i32 to index
        %get3A_139 = arith.constant 64 : index
        %get3A_140 = tpu.vector_load %arg10[%get3A_138, %get3A_139] {strides = array<i32>} : memref<128x128xf32, #tpu.memory_space<vmem>>, vector<16xf32>,
        %mul3A_141 = arith.mulf %get3A_140, %gather3A_109 : vector<16xf32>
        %swap3A_142 = arith.index_cast %add3A_107 : i32 to index
        %swap3A_143 = arith.constant 64 : index
        %swap3A_144 = tpu.vector_load %arg10[%swap3A_142, %swap3A_143] {strides = array<i32>} : memref<128x128xf32, #tpu.memory_space<vmem>>, vector<16xf32>,
        tpu.vector_store %arg10[%swap3A_142, %swap3A_143], %mul3A_141 {strides = array<i32>} : memref<128x128xf32, #tpu.memory_space<vmem>>, vector<16xf32>,
        %get3A_145 = arith.index_cast %add3A_107 : i32 to index
        %get3A_146 = arith.constant 80 : index
        %get3A_147 = tpu.vector_load %arg10[%get3A_145, %get3A_146] {strides = array<i32>} : memref<128x128xf32, #tpu.memory_space<vmem>>, vector<16xf32>,
        %mul3A_148 = arith.mulf %get3A_147, %gather3A_109 : vector<16xf32>
        %swap3A_149 = arith.index_cast %add3A_107 : i32 to index
        %swap3A_150 = arith.constant 80 : index
        %swap3A_151 = tpu.vector_load %arg10[%swap3A_149, %swap3A_150] {strides = array<i32>} : memref<128x128xf32, #tpu.memory_space<vmem>>, vector<16xf32>,
        tpu.vector_store %arg10[%swap3A_149, %swap3A_150], %mul3A_148 {strides = array<i32>} : memref<128x128xf32, #tpu.memory_space<vmem>>, vector<16xf32>,
        %get3A_152 = arith.index_cast %add3A_107 : i32 to index
        %get3A_153 = arith.constant 96 : index
        %get3A_154 = tpu.vector_load %arg10[%get3A_152, %get3A_153] {strides = array<i32>} : memref<128x128xf32, #tpu.memory_space<vmem>>, vector<16xf32>,
        %mul3A_155 = arith.mulf %get3A_154, %gather3A_109 : vector<16xf32>
        %swap3A_156 = arith.index_cast %add3A_107 : i32 to index
        %swap3A_157 = arith.constant 96 : index
        %swap3A_158 = tpu.vector_load %arg10[%swap3A_156, %swap3A_157] {strides = array<i32>} : memref<128x128xf32, #tpu.memory_space<vmem>>, vector<16xf32>,
        tpu.vector_store %arg10[%swap3A_156, %swap3A_157], %mul3A_155 {strides = array<i32>} : memref<128x128xf32, #tpu.memory_space<vmem>>, vector<16xf32>,
        %get3A_159 = arith.index_cast %add3A_107 : i32 to index
        %get3A_160 = arith.constant 112 : index
        %get3A_161 = tpu.vector_load %arg10[%get3A_159, %get3A_160] {strides = array<i32>} : memref<128x128xf32, #tpu.memory_space<vmem>>, vector<16xf32>,
        %mul3A_162 = arith.mulf %get3A_161, %gather3A_109 : vector<16xf32>
        %swap3A_163 = arith.index_cast %add3A_107 : i32 to index
        %swap3A_164 = arith.constant 112 : index
        %swap3A_165 = tpu.vector_load %arg10[%swap3A_163, %swap3A_164] {strides = array<i32>} : memref<128x128xf32, #tpu.memory_space<vmem>>, vector<16xf32>,
        tpu.vector_store %arg10[%swap3A_163, %swap3A_164], %mul3A_162 {strides = array<i32>} : memref<128x128xf32, #tpu.memory_space<vmem>>, vector<16xf32>,
        %mul3A_166 = arith.constant 4 : i32
        %mul3A_167 = arith.muli %scan3A_44, %mul3A_166 : i32
        %add3A_168 = arith.constant 2 : i32
        %add3A_169 = arith.addi %mul3A_167, %add3A_168 : i32
        %broadcast_in_dim3A_170 = vector.broadcast %add3A_169 : i32 to vector<16xi32>
        %gather3A_171 = tpu.vector_load_idx %arg9[%broadcast_in_dim3A_170] : memref<128xf32, #tpu.memory_space<vmem>>[vector<16xi32>], vector<16xf32>,
        %get3A_172 = arith.index_cast %add3A_169 : i32 to index
        %get3A_173 = arith.constant 0 : index
        %get3A_174 = tpu.vector_load %arg10[%get3A_172, %get3A_173] {strides = array<i32>} : memref<128x128xf32, #tpu.memory_space<vmem>>, vector<16xf32>,
        %mul3A_175 = arith.mulf %get3A_174, %gather3A_171 : vector<16xf32>
        %swap3A_176 = arith.index_cast %add3A_169 : i32 to index
        %swap3A_177 = arith.constant 0 : index
        %swap3A_178 = tpu.vector_load %arg10[%swap3A_176, %swap3A_177] {strides = array<i32>} : memref<128x128xf32, #tpu.memory_space<vmem>>, vector<16xf32>,
        tpu.vector_store %arg10[%swap3A_176, %swap3A_177], %mul3A_175 {strides = array<i32>} : memref<128x128xf32, #tpu.memory_space<vmem>>, vector<16xf32>,
        %get3A_179 = arith.index_cast %add3A_169 : i32 to index
        %get3A_180 = arith.constant 16 : index
        %get3A_181 = tpu.vector_load %arg10[%get3A_179, %get3A_180] {strides = array<i32>} : memref<128x128xf32, #tpu.memory_space<vmem>>, vector<16xf32>,
        %mul3A_182 = arith.mulf %get3A_181, %gather3A_171 : vector<16xf32>
        %swap3A_183 = arith.index_cast %add3A_169 : i32 to index
        %swap3A_184 = arith.constant 16 : index
        %swap3A_185 = tpu.vector_load %arg10[%swap3A_183, %swap3A_184] {strides = array<i32>} : memref<128x128xf32, #tpu.memory_space<vmem>>, vector<16xf32>,
        tpu.vector_store %arg10[%swap3A_183, %swap3A_184], %mul3A_182 {strides = array<i32>} : memref<128x128xf32, #tpu.memory_space<vmem>>, vector<16xf32>,
        %get3A_186 = arith.index_cast %add3A_169 : i32 to index
        %get3A_187 = arith.constant 32 : index
        %get3A_188 = tpu.vector_load %arg10[%get3A_186, %get3A_187] {strides = array<i32>} : memref<128x128xf32, #tpu.memory_space<vmem>>, vector<16xf32>,
        %mul3A_189 = arith.mulf %get3A_188, %gather3A_171 : vector<16xf32>
        %swap3A_190 = arith.index_cast %add3A_169 : i32 to index
        %swap3A_191 = arith.constant 32 : index
        %swap3A_192 = tpu.vector_load %arg10[%swap3A_190, %swap3A_191] {strides = array<i32>} : memref<128x128xf32, #tpu.memory_space<vmem>>, vector<16xf32>,
        tpu.vector_store %arg10[%swap3A_190, %swap3A_191], %mul3A_189 {strides = array<i32>} : memref<128x128xf32, #tpu.memory_space<vmem>>, vector<16xf32>,
        %get3A_193 = arith.index_cast %add3A_169 : i32 to index
        %get3A_194 = arith.constant 48 : index
        %get3A_195 = tpu.vector_load %arg10[%get3A_193, %get3A_194] {strides = array<i32>} : memref<128x128xf32, #tpu.memory_space<vmem>>, vector<16xf32>,
        %mul3A_196 = arith.mulf %get3A_195, %gather3A_171 : vector<16xf32>
        %swap3A_197 = arith.index_cast %add3A_169 : i32 to index
        %swap3A_198 = arith.constant 48 : index
        %swap3A_199 = tpu.vector_load %arg10[%swap3A_197, %swap3A_198] {strides = array<i32>} : memref<128x128xf32, #tpu.memory_space<vmem>>, vector<16xf32>,
        tpu.vector_store %arg10[%swap3A_197, %swap3A_198], %mul3A_196 {strides = array<i32>} : memref<128x128xf32, #tpu.memory_space<vmem>>, vector<16xf32>,
        %get3A_200 = arith.index_cast %add3A_169 : i32 to index
        %get3A_201 = arith.constant 64 : index
        %get3A_202 = tpu.vector_load %arg10[%get3A_200, %get3A_201] {strides = array<i32>} : memref<128x128xf32, #tpu.memory_space<vmem>>, vector<16xf32>,
        %mul3A_203 = arith.mulf %get3A_202, %gather3A_171 : vector<16xf32>
        %swap3A_204 = arith.index_cast %add3A_169 : i32 to index
        %swap3A_205 = arith.constant 64 : index
        %swap3A_206 = tpu.vector_load %arg10[%swap3A_204, %swap3A_205] {strides = array<i32>} : memref<128x128xf32, #tpu.memory_space<vmem>>, vector<16xf32>,
        tpu.vector_store %arg10[%swap3A_204, %swap3A_205], %mul3A_203 {strides = array<i32>} : memref<128x128xf32, #tpu.memory_space<vmem>>, vector<16xf32>,
        %get3A_207 = arith.index_cast %add3A_169 : i32 to index
        %get3A_208 = arith.constant 80 : index
        %get3A_209 = tpu.vector_load %arg10[%get3A_207, %get3A_208] {strides = array<i32>} : memref<128x128xf32, #tpu.memory_space<vmem>>, vector<16xf32>,
        %mul3A_210 = arith.mulf %get3A_209, %gather3A_171 : vector<16xf32>
        %swap3A_211 = arith.index_cast %add3A_169 : i32 to index
        %swap3A_212 = arith.constant 80 : index
        %swap3A_213 = tpu.vector_load %arg10[%swap3A_211, %swap3A_212] {strides = array<i32>} : memref<128x128xf32, #tpu.memory_space<vmem>>, vector<16xf32>,
        tpu.vector_store %arg10[%swap3A_211, %swap3A_212], %mul3A_210 {strides = array<i32>} : memref<128x128xf32, #tpu.memory_space<vmem>>, vector<16xf32>,
        %get3A_214 = arith.index_cast %add3A_169 : i32 to index
        %get3A_215 = arith.constant 96 : index
        %get3A_216 = tpu.vector_load %arg10[%get3A_214, %get3A_215] {strides = array<i32>} : memref<128x128xf32, #tpu.memory_space<vmem>>, vector<16xf32>,
        %mul3A_217 = arith.mulf %get3A_216, %gather3A_171 : vector<16xf32>
        %swap3A_218 = arith.index_cast %add3A_169 : i32 to index
        %swap3A_219 = arith.constant 96 : index
        %swap3A_220 = tpu.vector_load %arg10[%swap3A_218, %swap3A_219] {strides = array<i32>} : memref<128x128xf32, #tpu.memory_space<vmem>>, vector<16xf32>,
        tpu.vector_store %arg10[%swap3A_218, %swap3A_219], %mul3A_217 {strides = array<i32>} : memref<128x128xf32, #tpu.memory_space<vmem>>, vector<16xf32>,
        %get3A_221 = arith.index_cast %add3A_169 : i32 to index
        %get3A_222 = arith.constant 112 : index
        %get3A_223 = tpu.vector_load %arg10[%get3A_221, %get3A_222] {strides = array<i32>} : memref<128x128xf32, #tpu.memory_space<vmem>>, vector<16xf32>,
        %mul3A_224 = arith.mulf %get3A_223, %gather3A_171 : vector<16xf32>
        %swap3A_225 = arith.index_cast %add3A_169 : i32 to index
        %swap3A_226 = arith.constant 112 : index
        %swap3A_227 = tpu.vector_load %arg10[%swap3A_225, %swap3A_226] {strides = array<i32>} : memref<128x128xf32, #tpu.memory_space<vmem>>, vector<16xf32>,
        tpu.vector_store %arg10[%swap3A_225, %swap3A_226], %mul3A_224 {strides = array<i32>} : memref<128x128xf32, #tpu.memory_space<vmem>>, vector<16xf32>,
        %mul3A_228 = arith.constant 4 : i32
        %mul3A_229 = arith.muli %scan3A_44, %mul3A_228 : i32
        %add3A_230 = arith.constant 3 : i32
        %add3A_231 = arith.addi %mul3A_229, %add3A_230 : i32
        %broadcast_in_dim3A_232 = vector.broadcast %add3A_231 : i32 to vector<16xi32>
        %gather3A_233 = tpu.vector_load_idx %arg9[%broadcast_in_dim3A_232] : memref<128xf32, #tpu.memory_space<vmem>>[vector<16xi32>], vector<16xf32>,
        %get3A_234 = arith.index_cast %add3A_231 : i32 to index
        %get3A_235 = arith.constant 0 : index
        %get3A_236 = tpu.vector_load %arg10[%get3A_234, %get3A_235] {strides = array<i32>} : memref<128x128xf32, #tpu.memory_space<vmem>>, vector<16xf32>,
        %mul3A_237 = arith.mulf %get3A_236, %gather3A_233 : vector<16xf32>
        %swap3A_238 = arith.index_cast %add3A_231 : i32 to index
        %swap3A_239 = arith.constant 0 : index
        %swap3A_240 = tpu.vector_load %arg10[%swap3A_238, %swap3A_239] {strides = array<i32>} : memref<128x128xf32, #tpu.memory_space<vmem>>, vector<16xf32>,
        tpu.vector_store %arg10[%swap3A_238, %swap3A_239], %mul3A_237 {strides = array<i32>} : memref<128x128xf32, #tpu.memory_space<vmem>>, vector<16xf32>,
        %get3A_241 = arith.index_cast %add3A_231 : i32 to index
        %get3A_242 = arith.constant 16 : index
        %get3A_243 = tpu.vector_load %arg10[%get3A_241, %get3A_242] {strides = array<i32>} : memref<128x128xf32, #tpu.memory_space<vmem>>, vector<16xf32>,
        %mul3A_244 = arith.mulf %get3A_243, %gather3A_233 : vector<16xf32>
        %swap3A_245 = arith.index_cast %add3A_231 : i32 to index
        %swap3A_246 = arith.constant 16 : index
        %swap3A_247 = tpu.vector_load %arg10[%swap3A_245, %swap3A_246] {strides = array<i32>} : memref<128x128xf32, #tpu.memory_space<vmem>>, vector<16xf32>,
        tpu.vector_store %arg10[%swap3A_245, %swap3A_246], %mul3A_244 {strides = array<i32>} : memref<128x128xf32, #tpu.memory_space<vmem>>, vector<16xf32>,
        %get3A_248 = arith.index_cast %add3A_231 : i32 to index
        %get3A_249 = arith.constant 32 : index
        %get3A_250 = tpu.vector_load %arg10[%get3A_248, %get3A_249] {strides = array<i32>} : memref<128x128xf32, #tpu.memory_space<vmem>>, vector<16xf32>,
        %mul3A_251 = arith.mulf %get3A_250, %gather3A_233 : vector<16xf32>
        %swap3A_252 = arith.index_cast %add3A_231 : i32 to index
        %swap3A_253 = arith.constant 32 : index
        %swap3A_254 = tpu.vector_load %arg10[%swap3A_252, %swap3A_253] {strides = array<i32>} : memref<128x128xf32, #tpu.memory_space<vmem>>, vector<16xf32>,
        tpu.vector_store %arg10[%swap3A_252, %swap3A_253], %mul3A_251 {strides = array<i32>} : memref<128x128xf32, #tpu.memory_space<vmem>>, vector<16xf32>,
        %get3A_255 = arith.index_cast %add3A_231 : i32 to index
        %get3A_256 = arith.constant 48 : index
        %get3A_257 = tpu.vector_load %arg10[%get3A_255, %get3A_256] {strides = array<i32>} : memref<128x128xf32, #tpu.memory_space<vmem>>, vector<16xf32>,
        %mul3A_258 = arith.mulf %get3A_257, %gather3A_233 : vector<16xf32>
        %swap3A_259 = arith.index_cast %add3A_231 : i32 to index
        %swap3A_260 = arith.constant 48 : index
        %swap3A_261 = tpu.vector_load %arg10[%swap3A_259, %swap3A_260] {strides = array<i32>} : memref<128x128xf32, #tpu.memory_space<vmem>>, vector<16xf32>,
        tpu.vector_store %arg10[%swap3A_259, %swap3A_260], %mul3A_258 {strides = array<i32>} : memref<128x128xf32, #tpu.memory_space<vmem>>, vector<16xf32>,
        %get3A_262 = arith.index_cast %add3A_231 : i32 to index
        %get3A_263 = arith.constant 64 : index
        %get3A_264 = tpu.vector_load %arg10[%get3A_262, %get3A_263] {strides = array<i32>} : memref<128x128xf32, #tpu.memory_space<vmem>>, vector<16xf32>,
        %mul3A_265 = arith.mulf %get3A_264, %gather3A_233 : vector<16xf32>
        %swap3A_266 = arith.index_cast %add3A_231 : i32 to index
        %swap3A_267 = arith.constant 64 : index
        %swap3A_268 = tpu.vector_load %arg10[%swap3A_266, %swap3A_267] {strides = array<i32>} : memref<128x128xf32, #tpu.memory_space<vmem>>, vector<16xf32>,
        tpu.vector_store %arg10[%swap3A_266, %swap3A_267], %mul3A_265 {strides = array<i32>} : memref<128x128xf32, #tpu.memory_space<vmem>>, vector<16xf32>,
        %get3A_269 = arith.index_cast %add3A_231 : i32 to index
        %get3A_270 = arith.constant 80 : index
        %get3A_271 = tpu.vector_load %arg10[%get3A_269, %get3A_270] {strides = array<i32>} : memref<128x128xf32, #tpu.memory_space<vmem>>, vector<16xf32>,
        %mul3A_272 = arith.mulf %get3A_271, %gather3A_233 : vector<16xf32>
        %swap3A_273 = arith.index_cast %add3A_231 : i32 to index
        %swap3A_274 = arith.constant 80 : index
        %swap3A_275 = tpu.vector_load %arg10[%swap3A_273, %swap3A_274] {strides = array<i32>} : memref<128x128xf32, #tpu.memory_space<vmem>>, vector<16xf32>,
        tpu.vector_store %arg10[%swap3A_273, %swap3A_274], %mul3A_272 {strides = array<i32>} : memref<128x128xf32, #tpu.memory_space<vmem>>, vector<16xf32>,
        %get3A_276 = arith.index_cast %add3A_231 : i32 to index
        %get3A_277 = arith.constant 96 : index
        %get3A_278 = tpu.vector_load %arg10[%get3A_276, %get3A_277] {strides = array<i32>} : memref<128x128xf32, #tpu.memory_space<vmem>>, vector<16xf32>,
        %mul3A_279 = arith.mulf %get3A_278, %gather3A_233 : vector<16xf32>
        %swap3A_280 = arith.index_cast %add3A_231 : i32 to index
        %swap3A_281 = arith.constant 96 : index
        %swap3A_282 = tpu.vector_load %arg10[%swap3A_280, %swap3A_281] {strides = array<i32>} : memref<128x128xf32, #tpu.memory_space<vmem>>, vector<16xf32>,
        tpu.vector_store %arg10[%swap3A_280, %swap3A_281], %mul3A_279 {strides = array<i32>} : memref<128x128xf32, #tpu.memory_space<vmem>>, vector<16xf32>,
        %get3A_283 = arith.index_cast %add3A_231 : i32 to index
        %get3A_284 = arith.constant 112 : index
        %get3A_285 = tpu.vector_load %arg10[%get3A_283, %get3A_284] {strides = array<i32>} : memref<128x128xf32, #tpu.memory_space<vmem>>, vector<16xf32>,
        %mul3A_286 = arith.mulf %get3A_285, %gather3A_233 : vector<16xf32>
        %swap3A_287 = arith.index_cast %add3A_231 : i32 to index
        %swap3A_288 = arith.constant 112 : index
        %swap3A_289 = tpu.vector_load %arg10[%swap3A_287, %swap3A_288] {strides = array<i32>} : memref<128x128xf32, #tpu.memory_space<vmem>>, vector<16xf32>,
        tpu.vector_store %arg10[%swap3A_287, %swap3A_288], %mul3A_286 {strides = array<i32>} : memref<128x128xf32, #tpu.memory_space<vmem>>, vector<16xf32>,
        %scan3A_290 = arith.constant 0 : i32
        scf.yield %scan3A_290 : i32
      }
      %scan3A_42 = arith.constant 32 : i32
      "tpu.region"() ({
        %run_scoped3A = tpu.sem_alloc : memref<!tpu.dma_semaphore, #tpu.memory_space<semaphore_mem>>
        %dma_start3A_44 = arith.constant 0 : i32
        %dma_start3A_45 = arith.constant 0 : i32
        %dma_start3A_46 = tpu.memref_slice %arg12[%dma_start3A_44, %dma_start3A_45] : memref<10112x128xf32, #tpu.memory_space<vmem_shared>> -> memref<10112x128xf32, #tpu.memory_space<vmem_shared>>
        tpu.enqueue_indirect_dma source(%arg10 : memref<128x128xf32, #tpu.memory_space<vmem>>) target(%dma_start3A_46 : memref<10112x128xf32, #tpu.memory_space<vmem_shared>>) offsets(%arg8 : memref<128xi32, #tpu.memory_space<vmem>>) semaphore(%run_scoped3A : memref<!tpu.dma_semaphore, #tpu.memory_space<semaphore_mem>>) {add = true}
        %dma_wait3A_47 = arith.constant 0 : i32
        %dma_wait3A_48 = arith.constant 0 : i32
        %dma_wait3A_49 = tpu.memref_slice %arg12[%dma_wait3A_47, %dma_wait3A_48] : memref<10112x128xf32, #tpu.memory_space<vmem_shared>> -> memref<10112x128xf32, #tpu.memory_space<vmem_shared>>
        tpu.wait_indirect_dma semaphore(%run_scoped3A : memref<!tpu.dma_semaphore, #tpu.memory_space<semaphore_mem>>) src(%arg10 : memref<128x128xf32, #tpu.memory_space<vmem>>) dst(%dma_wait3A_49 : memref<10112x128xf32, #tpu.memory_space<vmem_shared>>)
        tpu.yield
      }) : () -> ()
      %scan3A_43 = arith.constant 0 : i32
      scf.yield %scan3A_43 : i32
    }
    %scan3A_25 = arith.constant 80 : i32
    %barrier3A_26 = arith.constant 0 : index
    tpu.barrier barrier_id(%barrier3A_26)
    %mul3A_27 = arith.constant 10112 : i32
    %mul3A_28 = arith.muli %arg0, %mul3A_27 : i32
    %add3A_29 = arith.addi %mul3A_28, %mul3A_8 : i32
    "tpu.region"() ({
      %run_scoped3A = tpu.sem_alloc : memref<!tpu.dma_semaphore, #tpu.memory_space<semaphore_mem>>
      %dma_start3A = arith.constant 0 : i32
      %dma_start3A_30 = tpu.memref_slice %arg6[%add3A_29, %dma_start3A] : memref<20224x128xf32, #tpu.memory_space<hbm>> -> memref<632x128xf32, #tpu.memory_space<hbm>>
      %dma_start3A_31 = arith.constant 0 : i32
      %dma_start3A_32 = tpu.memref_slice %arg12[%mul3A_8, %dma_start3A_31] : memref<10112x128xf32, #tpu.memory_space<vmem_shared>> -> memref<632x128xf32, #tpu.memory_space<vmem_shared>>
      tpu.enqueue_dma source(%dma_start3A_32 : memref<632x128xf32, #tpu.memory_space<vmem_shared>>) target(%dma_start3A_30 : memref<632x128xf32, #tpu.memory_space<hbm>>) target_semaphore(%run_scoped3A : memref<!tpu.dma_semaphore, #tpu.memory_space<semaphore_mem>>)
      %dma_wait3A = arith.constant 0 : i32
      %dma_wait3A_33 = tpu.memref_slice %arg6[%add3A_29, %dma_wait3A] : memref<20224x128xf32, #tpu.memory_space<hbm>> -> memref<632x128xf32, #tpu.memory_space<hbm>>
      %dma_wait3A_34 = arith.constant 0 : i32
      %dma_wait3A_35 = tpu.memref_slice %arg12[%mul3A_8, %dma_wait3A_34] : memref<10112x128xf32, #tpu.memory_space<vmem_shared>> -> memref<632x128xf32, #tpu.memory_space<vmem_shared>>
      tpu.wait_dma2 semaphore(%run_scoped3A : memref<!tpu.dma_semaphore, #tpu.memory_space<semaphore_mem>>) src(%dma_wait3A_35 : memref<632x128xf32, #tpu.memory_space<vmem_shared>>) dst(%dma_wait3A_33 : memref<632x128xf32, #tpu.memory_space<hbm>>)
      tpu.yield
    }) : () -> ()
    return
  }
}

module attributes {stable_mosaic.version = 14 : i64} {
  func.func @body(%arg0: i32, %arg1: memref<2000x128xf32, #tpu.memory_space<vmem>>, %arg2: memref<2000x128xf32, #tpu.memory_space<vmem>>, %arg3: memref<2000x128xf32, #tpu.memory_space<vmem>>, %arg4: memref<128x128xf32, #tpu.memory_space<vmem>>, %arg5: memref<1x128xf32, #tpu.memory_space<vmem>>, %arg6: memref<128x128xf32, #tpu.memory_space<vmem>>, %arg7: memref<1x128xf32, #tpu.memory_space<vmem>>, %arg8: memref<2000x128xf32, #tpu.memory_space<vmem>>) attributes {dimension_semantics = [#tpu.dimension_semantics<arbitrary>], iteration_bounds = array<i64: 5>, scalar_prefetch = 0 : i64, scratch_operands = 0 : i64, tpu.core_type = #tpu.core_type<tc>, window_params = [{transform_indices = @transform_0, window_bounds = array<i64: 2000, 128>}, {transform_indices = @transform_1, window_bounds = array<i64: 2000, 128>}, {transform_indices = @transform_2, window_bounds = array<i64: 2000, 128>}, {pipeline_mode = #tpu.pipeline_mode<synchronous>, transform_indices = @transform_3, window_bounds = array<i64: 128, 128>}, {pipeline_mode = #tpu.pipeline_mode<synchronous>, transform_indices = @transform_4, window_bounds = array<i64: 1, 128>}, {pipeline_mode = #tpu.pipeline_mode<synchronous>, transform_indices = @transform_5, window_bounds = array<i64: 128, 128>}, {pipeline_mode = #tpu.pipeline_mode<synchronous>, transform_indices = @transform_6, window_bounds = array<i64: 1, 128>}, {transform_indices = @transform_7, window_bounds = array<i64: 2000, 128>}]} {
    %get3A = arith.constant 0 : index
    %get3A_0 = arith.constant 0 : index
    %get3A_1 = vector.load %arg1[%get3A, %get3A_0] : memref<2000x128xf32, #tpu.memory_space<vmem>>, vector<2000x128xf32>
    %get3A_2 = arith.constant 0 : index
    %get3A_3 = arith.constant 0 : index
    %get3A_4 = vector.load %arg2[%get3A_2, %get3A_3] : memref<2000x128xf32, #tpu.memory_space<vmem>>, vector<2000x128xf32>
    %add3A = arith.addf %get3A_1, %get3A_4 : vector<2000x128xf32>
    %get3A_5 = arith.constant 0 : index
    %get3A_6 = arith.constant 0 : index
    %get3A_7 = vector.load %arg3[%get3A_5, %get3A_6] : memref<2000x128xf32, #tpu.memory_space<vmem>>, vector<2000x128xf32>
    %add3A_8 = arith.addf %add3A, %get3A_7 : vector<2000x128xf32>
    %get3A_9 = arith.constant 0 : index
    %get3A_10 = arith.constant 0 : index
    %get3A_11 = vector.load %arg3[%get3A_9, %get3A_10] : memref<2000x128xf32, #tpu.memory_space<vmem>>, vector<2000x128xf32>
    %mul3A = arith.mulf %add3A, %get3A_11 : vector<2000x128xf32>
    %get3A_12 = arith.constant 0 : index
    %get3A_13 = arith.constant 0 : index
    %get3A_14 = vector.load %arg4[%get3A_12, %get3A_13] : memref<128x128xf32, #tpu.memory_space<vmem>>, vector<128x128xf32>
    %dot_general3A = arith.constant dense<0.000000e+00> : vector<2000x128xf32>
    %dot_general3A_15 = tpu.matmul %add3A_8, %get3A_14, %dot_general3A {dimension_numbers = #tpu.dot_dimension_numbers<[1], [1], [0], [0], [0, 0, 1, 0], [], []>, transpose_lhs_hint = false} : vector<2000x128xf32>, vector<128x128xf32>, vector<2000x128xf32> -> vector<2000x128xf32>
    %get3A_16 = arith.constant 0 : index
    %get3A_17 = arith.constant 0 : index
    %get3A_18 = vector.load %arg6[%get3A_16, %get3A_17] : memref<128x128xf32, #tpu.memory_space<vmem>>, vector<128x128xf32>
    %dot_general3A_19 = arith.constant dense<0.000000e+00> : vector<2000x128xf32>
    %dot_general3A_20 = tpu.matmul %mul3A, %get3A_18, %dot_general3A_19 {dimension_numbers = #tpu.dot_dimension_numbers<[1], [1], [0], [0], [0, 0, 1, 0], [], []>, transpose_lhs_hint = false} : vector<2000x128xf32>, vector<128x128xf32>, vector<2000x128xf32> -> vector<2000x128xf32>
    %add3A_21 = arith.addf %dot_general3A_15, %dot_general3A_20 : vector<2000x128xf32>
    %get3A_22 = arith.constant 0 : index
    %get3A_23 = arith.constant 0 : index
    %get3A_24 = vector.load %arg5[%get3A_22, %get3A_23] : memref<1x128xf32, #tpu.memory_space<vmem>>, vector<1x128xf32>
    %add3A_25 = vector.broadcast %get3A_24 : vector<1x128xf32> to vector<2000x128xf32>
    %add3A_26 = arith.addf %add3A_21, %add3A_25 : vector<2000x128xf32>
    %get3A_27 = arith.constant 0 : index
    %get3A_28 = arith.constant 0 : index
    %get3A_29 = vector.load %arg7[%get3A_27, %get3A_28] : memref<1x128xf32, #tpu.memory_space<vmem>>, vector<1x128xf32>
    %add3A_30 = vector.broadcast %get3A_29 : vector<1x128xf32> to vector<2000x128xf32>
    %add3A_31 = arith.addf %add3A_26, %add3A_30 : vector<2000x128xf32>
    %max3A = arith.constant 0.000000e+00 : f32
    %max3A_32 = vector.broadcast %max3A : f32 to vector<2000x128xf32>
    %max3A_33 = arith.maximumf %add3A_31, %max3A_32 : vector<2000x128xf32>
    %swap3A = arith.constant 0 : index
    %swap3A_34 = arith.constant 0 : index
    %swap3A_35 = vector.load %arg8[%swap3A, %swap3A_34] : memref<2000x128xf32, #tpu.memory_space<vmem>>, vector<2000x128xf32>
    tpu.vector_store %arg8[%swap3A, %swap3A_34], %max3A_33 {strides = array<i32>} : memref<2000x128xf32, #tpu.memory_space<vmem>>, vector<2000x128xf32>,
    return
  }
  func.func @transform_0(%arg0: i32) -> (i32, i32) {
    %c0_i32 = arith.constant 0 : i32
    %c0_i32_0 = arith.constant 0 : i32
    return %arg0, %c0_i32 : i32, i32
  }
  func.func @transform_1(%arg0: i32) -> (i32, i32) {
    %c0_i32 = arith.constant 0 : i32
    %c0_i32_0 = arith.constant 0 : i32
    return %arg0, %c0_i32 : i32, i32
  }
  func.func @transform_2(%arg0: i32) -> (i32, i32) {
    %c0_i32 = arith.constant 0 : i32
    %c0_i32_0 = arith.constant 0 : i32
    return %arg0, %c0_i32 : i32, i32
  }
  func.func @transform_3(%arg0: i32) -> (i32, i32) {
    %c0_i32 = arith.constant 0 : i32
    %c0_i32_0 = arith.constant 0 : i32
    %c0_i32_1 = arith.constant 0 : i32
    return %c0_i32, %c0_i32_0 : i32, i32
  }
  func.func @transform_4(%arg0: i32) -> (i32, i32) {
    %c0_i32 = arith.constant 0 : i32
    %c0_i32_0 = arith.constant 0 : i32
    %c0_i32_1 = arith.constant 0 : i32
    return %c0_i32, %c0_i32_0 : i32, i32
  }
  func.func @transform_5(%arg0: i32) -> (i32, i32) {
    %c0_i32 = arith.constant 0 : i32
    %c0_i32_0 = arith.constant 0 : i32
    %c0_i32_1 = arith.constant 0 : i32
    return %c0_i32, %c0_i32_0 : i32, i32
  }
  func.func @transform_6(%arg0: i32) -> (i32, i32) {
    %c0_i32 = arith.constant 0 : i32
    %c0_i32_0 = arith.constant 0 : i32
    %c0_i32_1 = arith.constant 0 : i32
    return %c0_i32, %c0_i32_0 : i32, i32
  }
  func.func @transform_7(%arg0: i32) -> (i32, i32) {
    %c0_i32 = arith.constant 0 : i32
    %c0_i32_0 = arith.constant 0 : i32
    return %arg0, %c0_i32 : i32, i32
  }
}

</mosaic_0001>

<sc_bundles>
// kernel: kernel.4.cloned.1.call-start
scs
__scs_entry_jumppad:
0x0: {  	(pc) =	sbr.rel $0x88, $3  }
0x1: {  	(tag) =	ssettag $0x0;
	lr =	simm.s32 $0x1  }
0x2: {  	[smem:$0x3F9A] =	sst lr;
	_ =	strace $0xD0000000  }
0x3: {  	_ = 	snop  }
0x4: {  	_ = 	snop  }
0x5: {  	_ = 	snop  }
0x6: {  	_ = 	snop  }
0x7: {  	_ = 	snop  }
__scs_overlays_trampoline_lowered:
0x8: {  	[smem:$0x3FA9] =	sst s0  }
0x9: {  	[smem:$0x3FAA] =	sst s1  }
0xa: {  	[smem:$0x3FAB] =	sst s2  }
0xb: {  	[smem:$0x3FAC] =	sst s3  }
0xc: {  	[smem:$0x3FAD] =	sst s4  }
0xd: {  	[smem:$0x3FAE] =	sst s5  }
0xe: {  	[smem:$0x3FAF] =	sst s6  }
0xf: {  	[smem:$0x3FB0] =	sst s7  }
0x10: {  	[smem:$0x3FB1] =	sst s8  }
0x11: {  	[smem:$0x3FB2] =	sst s9;
	s0 =	simm.s32 @!p0 $0x0  }
0x12: {  	s1 =	sld [smem:$0x3F98];
	s0 =	simm.s32 @p0 $0x1  }
0x13: {  	[smem:$0x3FB3] =	sst s0;
	s0 =	simm.s32 @!p1 $0x0  }
0x14: {  	s2 =	sld [smem:$0x3F97];
	s0 =	simm.s32 @p1 $0x1  }
0x15: {  	[smem:$0x3FB4] =	sst s0;
	s0 =	simm.s32 @!p2 $0x0  }
0x16: {  	s3 =	sld [smem:$0x3FDB];
	s0 =	simm.s32 @p2 $0x1  }
0x17: {  	s4 =	simm.s32 $0x1BF5;
	[smem:$0x3FB6] =	sst s0  }
0x18: {  	s0 =	sld [smem:$0x3F99];
	_ =	swait.ge [sflag:s4], $0x0  }
0x19: {  	s7 =	sld [smem:$0x3F9A]  }
0x1a: {  	s8 =	sadd.s32 $0xFFFFE003, lr  }
0x1b: {  	s9 =	sadd.s32 $0xFFFFFEF7, lr;
	s5 =	simm.s32 $0xFFFFFFFF;
	p2 =	slt.u32 s8, $0xFFFFF086  }
0x1c: {  	p1 =	slt.u32 s9, $0xF7A;
	s5 =	simm.s32 @!p2 $0x0  }
0x1d: {  	s5 =	simm.s32 @p1 $0x1;
	p0 =	seq.s32 s7, s2  }
0x1e: {  	s7 =	smul.u32 @!p0 $0xF7A, s2;
	p2 =	seq.s32 @!p0 s5, $0x0  }
0x1f: {  	s9 =	smul.u32 $0xF7A, s1;
	s8 =	simm.s32 @!p0 $0x1BF5;
	p2 =	por !p2, p0  }
0x20: {  	[sflag:s8] =	ssyncset.s32 @!p0 $0xFFFFF086;
	s6 =	sadd.s32 @!p0 s3, s7;
	s7 =	simm.s32 @!p0 $0x108  }
0x21: {  	s3 =	sadd.s32 s3, s9;
	s6 =	sadd.s32 @!p0 $0x88, s6;
	s7 =	simm.s32 @p2 $0x1082  }
0x22: {  	[simem:s7], [sflag:s8] =	dma.local @!p0 [hbm:s6], $0xF7A  }
0x23: {  	s9 =	sor.u32 $0xD0000000, s2;
	s6 =	simm.s32 $0x108;
	_ =	swait.ge @!p0 [sflag:s8], $0x0  }
0x24: {  	s3 =	sadd.s32 $0x88, s3;
	s6 =	simm.s32 @!p1 $0x1082;
	[sflag:s4] =	ssyncset.s32 $0xFFFFF086  }
0x25: {  	[simem:s6], [sflag:s4] =	dma.local [hbm:s3], $0xF7A  }
0x26: {  	[smem:$0x3F9A] =	sst s1;
	(tag) =	ssettag s2;
	_ =	strace s9  }
0x27: {  	s1 =	sld [smem:$0x3FAA]  }
0x28: {  	s2 =	sld [smem:$0x3FAB]  }
0x29: {  	s4 =	sld [smem:$0x3FAD]  }
0x2a: {  	p0 =	seq.s32 s5, $0x0;
	s5 =	sld [smem:$0x3FAE]  }
0x2b: {  	s6 =	sld [smem:$0x3FAF]  }
0x2c: {  	s7 =	sld [smem:$0x3FB0]  }
0x2d: {  	s3 =	simm.s32 $0x108;
	s8 =	sld [smem:$0x3FB1]  }
0x2e: {  	s3 =	simm.s32 @!p0 $0x1082;
	s9 =	sld [smem:$0x3FB2]  }
0x2f: {  	lr =	sadd.s32 s0, s3;
	s0 =	sld [smem:$0x3FA9]  }
0x30: {  	s3 =	sld [smem:$0x3FAC]  }
0x31: {  	[smem:$0x3FB5] =	sst s10  }
0x32: {  	s10 =	sld [smem:$0x3FB3];
	_ =	sdelay $0x3  }
0x33: {  	p0 =	seq.s32 s10, $0x1;
	s10 =	sld [smem:$0x3FB5];
	_ =	sdelay $0x3  }
0x34: {  	[smem:$0x3FB5] =	sst s10  }
0x35: {  	s10 =	sld [smem:$0x3FB4];
	_ =	sdelay $0x3  }
0x36: {  	p1 =	seq.s32 s10, $0x1;
	s10 =	sld [smem:$0x3FB5];
	_ =	sdelay $0x3  }
0x37: {  	[smem:$0x3FB5] =	sst s10  }
0x38: {  	s10 =	sld [smem:$0x3FB6]  }
0x39: {  	_ = 	snop;
	(pc) =	sbr.ind lr, $3  }
0x3a: {  	_ = 	snop  }
0x3b: {  	_ = 	snop  }
0x3c: {  	p2 =	seq.s32 s10, $0x1;
	s10 =	sld [smem:$0x3FB5]  }
0x3d: {  	_ =	shalt  }
0x3e: {  	_ =	shalt  }
0x3f: {  	_ =	shalt  }
0x40: {  	_ =	shalt  }
0x41: {  	_ =	shalt  }
0x42: {  	_ =	shalt  }
0x43: {  	_ =	shalt  }
0x44: {  	_ =	shalt  }
0x45: {  	_ =	shalt  }
0x46: {  	_ =	shalt  }
0x47: {  	_ =	shalt  }
0x48: {  	_ =	shalt  }
0x49: {  	_ =	shalt  }
0x4a: {  	_ =	shalt  }
0x4b: {  	_ =	shalt  }
0x4c: {  	_ =	shalt  }
0x4d: {  	_ =	shalt  }
0x4e: {  	_ =	shalt  }
0x4f: {  	_ =	shalt  }
0x50: {  	_ =	shalt  }
0x51: {  	_ =	shalt  }
0x52: {  	_ =	shalt  }
0x53: {  	_ =	shalt  }
0x54: {  	_ =	shalt  }
0x55: {  	_ =	shalt  }
0x56: {  	_ =	shalt  }
0x57: {  	_ =	shalt  }
0x58: {  	_ =	shalt  }
0x59: {  	_ =	shalt  }
0x5a: {  	_ =	shalt  }
0x5b: {  	_ =	shalt  }
0x5c: {  	_ =	shalt  }
0x5d: {  	_ =	shalt  }
0x5e: {  	_ =	shalt  }
0x5f: {  	_ =	shalt  }
0x60: {  	_ =	shalt  }
0x61: {  	_ =	shalt  }
0x62: {  	_ =	shalt  }
0x63: {  	_ =	shalt  }
0x64: {  	_ =	shalt  }
0x65: {  	_ =	shalt  }
0x66: {  	_ =	shalt  }
0x67: {  	_ =	shalt  }
0x68: {  	_ =	shalt  }
0x69: {  	_ =	shalt  }
0x6a: {  	_ =	shalt  }
0x6b: {  	_ =	shalt  }
0x6c: {  	_ =	shalt  }
0x6d: {  	_ =	shalt  }
0x6e: {  	_ =	shalt  }
0x6f: {  	_ =	shalt  }
0x70: {  	_ =	shalt  }
0x71: {  	_ =	shalt  }
0x72: {  	_ =	shalt  }
0x73: {  	_ =	shalt  }
0x74: {  	_ =	shalt  }
0x75: {  	_ =	shalt  }
0x76: {  	_ =	shalt  }
0x77: {  	_ =	shalt  }
0x78: {  	_ =	shalt  }
0x79: {  	_ =	shalt  }
0x7a: {  	_ =	shalt  }
0x7b: {  	_ =	shalt  }
0x7c: {  	_ =	shalt  }
0x7d: {  	_ =	shalt  }
0x7e: {  	_ =	shalt  }
0x7f: {  	_ =	shalt  }
0x80: {  	_ =	shalt  }
0x81: {  	_ =	shalt  }
0x82: {  	_ =	shalt  }
0x83: {  	_ =	shalt  }
0x84: {  	_ =	shalt  }
0x85: {  	_ =	shalt  }
0x86: {  	_ =	shalt  }
0x87: {  	_ =	shalt  }
.Lfunc_end0:
.L_simem_size_0:
called_computation_lowered:
.L_overlay_start_0:
0x88: {  	s2 =	sld [smem:$0x3FD9]  }
0x89: {  	s3 =	sld [smem:$0x3FFE];
	_ =	sdelay $0x1  }
0x8a: {  	s1 =	srdreg.scid  }
0x8b: {  	s0 =	sand.u32 $0x1, s1  }
0x8c: {  	s17 =	sshll.u32 s0, $0xA;
	s2 =	sadd.s32 s3, s2  }
0x8d: {  	s2 =	sadd.s32 s2, s17  }
0x8e: {  	[smem:$0x3FC1] =	sst s2  }
0x8f: {  	_ = 	snop  }
0x90: {  	s2 =	sld [smem:$0x3FC9]  }
0x91: {  	s18 =	sld [smem:$0x3FD0];
	(tm) =	ssettm $0x1  }
0x92: {  	s4 =	sld [smem:$0x3FFB];
	_ =	sdelay $0x3  }
0x93: {  	_ =	strace s4  }
0x94: {  	s4 =	sld [smem:$0x3FFC];
	_ =	sdelay $0x3  }
0x95: {  	_ =	strace s4  }
0x96: {  	s4 =	sld [smem:$0x3FFD];
	_ =	sdelay $0x3  }
0x97: {  	_ =	strace s4  }
0x98: {  	_ =	strace $0x8FFFFFFF  }
0x99: {  	s19 =	sld [smem:$0x3FDB];
	_ =	sdelay $0x1  }
0x9a: {  	s5 =	simm.s32 $_scs_section_size  }
0x9b: {  	s6 =	simm.s32 $_size__tile_overlayer_lowered;
	s7 =	simm.s32 $_tile_overlayer_lowered  }
0x9c: {  	s22 =	simm.s32 $0x1BFF;
	s21 =	sshll.u32 s7, $0x1;
	s4 =	sadd.s32 s5, s19  }
0x9d: {  	s8 =	simm.s32 $0x0;
	s20 =	sshll.u32 s6, $0x1;
	s6 =	sadd.s32 s21, s4  }
0x9e: {  	[timem:s8], [sflag:s22] =	dma.local [hbm:s6], s20  }
0x9f: {  	_ =	swait.ge [sflag:s22], s20  }
0xa0: {  	s5 =	ssub.s32 $0x0, s20;
	[sflag:s22] =	ssyncset.done $0x0  }
0xa1: {  	[sflag:s22] =	ssyncadd.s32 s5;
	_ =	sdelay $0x1  }
0xa2: {  	s23 =	simm.s32 $0x1B8B  }
0xa3: {  	_ =	swait.ge [sflag:s23], $0x1  }
0xa4: {  	[sflag:s23] =	ssyncset.done $0x0  }
0xa5: {  	s25 =	simm.s32 $0x1B8E;
	s24 =	sld [smem:$0x3FFE];
	[sflag:s23] =	ssyncadd.s32 $0xFFFFFFFF  }
0xa6: {  	s26 =	simm.s32 $execute0_lowered;
	[smem:$0x3FD2] =	sst s25  }
0xa7: {  	s6 =	sshll.u32 s26, $0x1;
	_ =	strace $0x80000046;
	[dreg:$0x1] =	wrdreg $0xFFFFFFFF  }
0xa8: {  	s28 =	simm.s32 $_size_execute0_lowered;
	s4 =	sadd.s32 s4, s6;
	[dreg:$0x0] =	wrdreg $0x0  }
0xa9: {  	s6 =	sshll.u32 s28, $0x1;
	[dreg:$0x2] =	wrdreg s4  }
0xaa: {  	[dreg:$0x3] =	wrdreg s6  }
0xab: {  	[dreg:$0x4] =	wrdreg $0xC0  }
0xac: {  	_ =	task [dreg:s8], $0x5FFFF  }
0xad: {  	[dreg:$0x1] =	wrdreg $0xFFFFFFFF  }
0xae: {  	[dreg:$0x0] =	wrdreg $0x60  }
0xaf: {  	[dreg:$0x2] =	wrdreg s2  }
0xb0: {  	[dreg:$0x3] =	wrdreg s18  }
0xb1: {  	[dreg:$0x4] =	wrdreg s24  }
0xb2: {  	[dreg:$0x5] =	wrdreg $0x41800  }
0xb3: {  	[dreg:$0x6] =	wrdreg $0x9  }
0xb4: {  	_ =	task.clear_ibuf [dreg:s8], $0x7FFFF;
	_ =	strace $0x90000046  }
0xb5: {  	s29 =	simm.s32 $0x9;
	_ =	strace $0x80000048  }
0xb6: {  	_ =	swait.ge [sflag:s29], $0x1  }
0xb7: {  	[sflag:s29] =	ssyncadd.s32 $0xFFFFFFFF  }
0xb8: {  	_ =	strace $0x90000048  }
0xb9: {  	_ =	sfence  }
0xba: {  	s30 =	sld [smem:$0x0];
	_ =	sdelay $0x2  }
0xbb: {  	s31 =	sshll.u32 s1, $0xD;
	s1 =	sshrl.u32 s1, $0x2  }
0xbc: {  	s3 =	sand.u32 $0x4000, s31;
	s1 =	sadd.s32 s1, s30  }
0xbd: {  	s0 =	sor.u32 s3, s0;
	s1 =	sshll.u32 s1, $0x11  }
0xbe: {  	s0 =	sor.u32 s1, s0  }
0xbf: {  	s0 =	sadd.s32 $0x8F2B, s0  }
0xc0: {  	[sflag:s0] =	ssyncadd.remote.s32 $0x1  }
0xc1: {  	_ =	sfence.sel $0xFFFF  }
0xc2: {  	[dreg:$0x0] =	wrdreg $0xFFFFFFFF;
	(pc) =	sbr.abs _section_cstart, $3  }
0xc3: {  	[dreg:$0x1] =	wrdreg $0xFFFFFFFF  }
0xc4: {  	_ =	task.clear_ibuf [dreg:s8], $0x2FFFF;
	_ =	strace $0x9FFFFFFF  }
0xc5: {  	(tm) =	ssettm $0x7FFFFFFF  }
tec
execute0_lowered:
.L_overlay_start_1:
0x0: {  	(tag) =	ssettag $0x1  }
0x1: {  	s1 =	rddreg [dreg:$0x0]  }
0x2: {  	s2 =	rddreg [dreg:$0x1]  }
0x3: {  	s8 =	rddreg [dreg:$0x2]  }
0x4: {  	s4 =	rddreg [dreg:$0x3]  }
0x5: {  	s0 =	rddreg [dreg:$0x4];
	s6 =	srdreg.scid  }
0x6: {  	s3 =	stileid.u32;
	s5 =	simm.s32 $0x0;
	s16 =	simm.s32 $0x180  }
0x7: {  	s17 =	simm.s32 $0x2;
	s18 =	simm.s32 $0x80;
	s19 =	simm.s32 $0x100  }
0x8: {  	s20 =	simm.s32 $0x1;
	s9 =	sand.u32 $0x1, s6;
	s10 =	smul.u32 $0x2780, s3  }
0x9: {  	[smem:$0x7FF] =	sst s5;
	s6 =	sadd.s32 $0xB000, s8;
	s12 =	smul.u32 $0x4F000, s3  }
0xa: {  	s7 =	sadd.s32 $0x1000, s8;
	s21 =	sshll.u32 s3, $0x6;
	s11 =	smul.u32 $0x27800, s9  }
0xb: {  	_ =	strace $0x80000047;
	s29 =	ssub.s32 $0x2, s9;
	s9 =	sshll.u32 s9, $0x4  }
0xc: {  	s21 =	sor.u32 $0x1C02, s21;
	s30 =	sshrl.u32 s29, $0x1;
	s31 =	sshrl.u32 s12, $0x2  }
0xd: {  	s13 =	sor.u32 s3, s9;
	s10 =	sadd.s32 s10, s11;
	s15 =	ssub.s32 s29, s30  }
0xe: {  	s13 =	smul.u32 $0x2800, s13;
	s14 =	sadd.s32 s10, s8;
	s8 =	sadd.s32 s31, s4  }
0xf: {  	s15 =	smax.u32 s15, $0x1;
	s9 =	sadd.s32 $0x4000, s8;
	s10 =	sadd.s32 $0x8000, s8  }
0x10: {  	v0 =	vimm.f32 $0.0e+00;
	s11 =	sadd.s32 $0xC000, s8;
	s12 =	sadd.s32 $0x10000, s8;
	s14 =	sadd.s32 $0x15000, s14  }
.LBB2_1:
0x11: {  	s22 =	simm.s32 $0x0;
	s23 =	simm.s32 $0x200  }
.LBB2_2:
0x12: {  	p0 =	sne.s32 s23, $0xFE00;
	[tilespmem:s22+$0x1F0] =	vst v0  }
0x13: {  	[tilespmem:s22+$0x180] =	vst v0  }
0x14: {  	[tilespmem:s22+$0x190] =	vst v0  }
.Ltmp0:
0x15: {  	[tilespmem:s22+$0x1A0] =	vst v0;
	(pc) =	sbr.rel @p0 .LBB2_2-.Ltmp0, $4  }
0x16: {  	[tilespmem:s22+$0x1B0] =	vst v0  }
0x17: {  	[tilespmem:s22+$0x1C0] =	vst v0  }
0x18: {  	[tilespmem:s22+$0x1D0] =	vst v0  }
0x19: {  	[tilespmem:s22+$0x1E0] =	vst v0;
	s22 =	sshra.s32 s23, $0x2;
	s23 =	sadd.s32 $0x200, s23  }
0x1a: {  	[tilespmem:s22+$0x1F0] =	vst v0  }
0x1b: {  	[tilespmem:s22+$0x180] =	vst v0  }
0x1c: {  	[tilespmem:s22+$0x190] =	vst v0  }
0x1d: {  	[tilespmem:s22+$0x1A0] =	vst v0  }
0x1e: {  	[tilespmem:s22+$0x1B0] =	vst v0  }
0x1f: {  	[tilespmem:s22+$0x1C0] =	vst v0  }
0x20: {  	[tilespmem:s22+$0x1D0] =	vst v0  }
0x21: {  	[tilespmem:s22+$0x1E0] =	vst v0  }
0x22: {  	[spmem:s8] =	stream.linear.scatter [tilespmem:s16], [sflag:$0x2], $0x4000, $0x38;
	[tilespmem:$0x17D80] =	vst v63  }
0x23: {  	_ =	swait.ge [sflag:s17], $0x4000  }
0x24: {  	[sflag:s17] =	ssyncset.done $0x0  }
0x25: {  	[sflag:s17] =	ssyncadd.s32 $0xFFFFC000  }
0x26: {  	[spmem:s9] =	stream.linear.scatter [tilespmem:s16], [sflag:$0x2], $0x4000, $0x38;
	[tilespmem:$0x17D80] =	vst v63  }
0x27: {  	_ =	swait.ge [sflag:s17], $0x4000  }
0x28: {  	[sflag:s17] =	ssyncset.done $0x0  }
0x29: {  	[sflag:s17] =	ssyncadd.s32 $0xFFFFC000  }
0x2a: {  	[spmem:s10] =	stream.linear.scatter [tilespmem:s16], [sflag:$0x2], $0x4000, $0x38;
	[tilespmem:$0x17D80] =	vst v63  }
0x2b: {  	_ =	swait.ge [sflag:s17], $0x4000  }
0x2c: {  	[sflag:s17] =	ssyncset.done $0x0  }
0x2d: {  	[sflag:s17] =	ssyncadd.s32 $0xFFFFC000  }
0x2e: {  	[spmem:s11] =	stream.linear.scatter [tilespmem:s16], [sflag:$0x2], $0x4000, $0x38;
	[tilespmem:$0x17D80] =	vst v63  }
0x2f: {  	_ =	swait.ge [sflag:s17], $0x4000  }
0x30: {  	[sflag:s17] =	ssyncset.done $0x0  }
0x31: {  	[sflag:s17] =	ssyncadd.s32 $0xFFFFC000  }
0x32: {  	[spmem:s12] =	stream.linear.scatter [tilespmem:s16], [sflag:$0x2], $0x3C00, $0x38;
	[tilespmem:$0x17D80] =	vst v63  }
0x33: {  	_ =	swait.ge [sflag:s17], $0x3C00  }
0x34: {  	[sflag:s17] =	ssyncset.done $0x0  }
0x35: {  	[sflag:s17] =	ssyncadd.s32 $0xFFFFC400  }
0x36: {  	s22 =	simm.s32 $0x0;
	s23 =	simm.s32 $0x0;
	[bflag:$0x0] =	sbarrier.arrive $0xFFFF  }
.LBB2_4:
0x37: {  	s24 =	sshll.u32 s23, $0x7  }
0x38: {  	s25 =	sand.u32 $0x3C00, s24  }
0x39: {  	s24 =	sand.u32 $0x380, s24;
	s25 =	sadd.s32 s13, s25  }
0x3a: {  	s24 =	sor.u32 s24, s25  }
0x3b: {  	s24 =	sshrl.u32 s24, $0x3  }
0x3c: {  	s26 =	sadd.s32 s2, s24  }
0x3d: {  	[tilespmem:s22], [sflag:$0x2] =	stream.linear.gather [hbm4b:s26+s22], $0x80, $0x38;
	[tilespmem:$0x17D80] =	vst v63  }
0x3e: {  	_ =	swait.ge [sflag:s17], $0x80  }
0x3f: {  	[sflag:s17] =	ssyncset.done $0x0  }
0x40: {  	s29 =	sadd.s32 s6, s24;
	[sflag:s17] =	ssyncadd.s32 $0xFFFFFF80  }
0x41: {  	[tilespmem:s18], [sflag:$0x2] =	stream.linear.gather [hbm4b:s29+s22], $0x80, $0x38;
	[tilespmem:$0x17D80] =	vst v63  }
0x42: {  	_ =	swait.ge [sflag:s17], $0x80  }
0x43: {  	[sflag:s17] =	ssyncset.done $0x0  }
0x44: {  	s24 =	sadd.s32 s7, s24;
	[sflag:s17] =	ssyncadd.s32 $0xFFFFFF80  }
0x45: {  	[tilespmem:s19], [sflag:$0x2] =	stream.linear.gather [hbm4b:s24+s22], $0x80, $0x38;
	[tilespmem:$0x17D80] =	vst v63  }
0x46: {  	v1 =	vmov s22;
	_ =	swait.ge [sflag:s17], $0x80  }
0x47: {  	v1 =	vand.u32 $0xFFFFFFFC, v1;
	[sflag:s17] =	ssyncset.done $0x0  }
0x48: {  	v1 =	vbroadcast v1, $0x0;
	[sflag:s17] =	ssyncadd.s32 $0xFFFFFF80  }
0x49: {  	[tilespmem:s16], [sflag:$0x1] =	stream.indirect.gather [hbm4b:s1+s18], $0x80, s22, s18, $0xb8;
	[tilespmem:$0x17D80] =	vst v63  }
0x4a: {  	_ =	swait.ge [sflag:s20], $0x4000  }
0x4b: {  	[sflag:s20] =	ssyncset.done $0x0  }
0x4c: {  	s24 =	simm.s32 $0x280;
	[sflag:s20] =	ssyncadd.s32 $0xFFFFC000  }
0x4d: {  	v2 =	vld [tilespmem:s24+$0xFFFFFF70]  }
0x4e: {  	v1 =	vld.idx.msk [tilespmem:v1+s19+$0x0], $0xffff  }
0x4f: {  	v3 =	vld [tilespmem:s24+$0xFFFFFF00]  }
0x50: {  	v4 =	vld [tilespmem:s24+$0xFFFFFF20]  }
0x51: {  	v5 =	vld [tilespmem:s24+$0xFFFFFF50]  }
0x52: {  	v6 =	vld [tilespmem:s24+$0xFFFFFF40]  }
0x53: {  	v7 =	vld [tilespmem:s24+$0xFFFFFF60];
	v2 =	vmul.f32 v2, v1  }
0x54: {  	s30 =	simm.s32 $0x1;
	v8 =	vld [tilespmem:s24+$0xFFFFFF30];
	v3 =	vmul.f32 v3, v1  }
0x55: {  	v9 =	vld [tilespmem:s24+$0xFFFFFF10];
	v4 =	vmul.f32 v4, v1;
	[tilespmem:s24+$0xFFFFFF70] =	vst v2;
	v2 =	vmov s30  }
0x56: {  	v5 =	vmul.f32 v5, v1;
	[tilespmem:s24+$0xFFFFFF00] =	vst v3;
	v2 =	vand.u32 $0xFFFFFFFD, v2  }
0x57: {  	v3 =	vmul.f32 v6, v1;
	[tilespmem:s24+$0xFFFFFF20] =	vst v4;
	v2 =	vbroadcast v2, $0x0  }
0x58: {  	v4 =	vmul.f32 v7, v1;
	[tilespmem:s24+$0xFFFFFF50] =	vst v5  }
0x59: {  	v5 =	vmul.f32 v8, v1;
	[tilespmem:s24+$0xFFFFFF40] =	vst v3  }
0x5a: {  	v1 =	vmul.f32 v9, v1;
	[tilespmem:s24+$0xFFFFFF60] =	vst v4  }
0x5b: {  	[tilespmem:s24+$0xFFFFFF30] =	vst v5  }
0x5c: {  	[tilespmem:s24+$0xFFFFFF10] =	vst v1;
	v1 =	vld [tilespmem:s24+$0xFFFFFF90]  }
0x5d: {  	v3 =	vld.idx.msk [tilespmem:v2+s19+$0x0], $0xffff  }
0x5e: {  	v2 =	vld [tilespmem:s24+$0xFFFFFFA0]  }
0x5f: {  	v4 =	vld [tilespmem:s24+$0xFFFFFF80]  }
0x60: {  	v5 =	vld [tilespmem:s24+$0xFFFFFFB0]  }
0x61: {  	v6 =	vld [tilespmem:s24+$0xFFFFFFC0]  }
0x62: {  	v7 =	vld [tilespmem:s24+$0xFFFFFFD0];
	v1 =	vmul.f32 v1, v3  }
0x63: {  	s31 =	simm.s32 $0x2;
	v8 =	vld [tilespmem:s24+$0xFFFFFFF0];
	v2 =	vmul.f32 v2, v3  }
0x64: {  	v63 =	vld [tilespmem:s24+$0xFFFFFFE0];
	v4 =	vmul.f32 v4, v3;
	[tilespmem:s24+$0xFFFFFF90] =	vst v1;
	v1 =	vmov s31  }
0x65: {  	v5 =	vmul.f32 v5, v3;
	[tilespmem:s24+$0xFFFFFFA0] =	vst v2;
	v1 =	vand.u32 $0xFFFFFFFE, v1  }
0x66: {  	v2 =	vmul.f32 v6, v3;
	[tilespmem:s24+$0xFFFFFF80] =	vst v4;
	v6 =	vld [tilespmem:s24+$0x60];
	v10 =	vbroadcast v1, $0x0  }
0x67: {  	v4 =	vmul.f32 v7, v3;
	[tilespmem:s24+$0xFFFFFFB0] =	vst v5;
	v7 =	vld [tilespmem:s24+$0x0]  }
0x68: {  	v5 =	vmul.f32 v8, v3;
	v1 =	vld [tilespmem:s24+$0x20];
	[tilespmem:s24+$0xFFFFFFC0] =	vst v2  }
0x69: {  	v3 =	vmul.f32 v63, v3;
	v2 =	vld [tilespmem:s24+$0x30];
	[tilespmem:s24+$0xFFFFFFD0] =	vst v4  }
0x6a: {  	[tilespmem:s24+$0xFFFFFFF0] =	vst v5;
	v4 =	vld [tilespmem:s24+$0x40]  }
0x6b: {  	[tilespmem:s24+$0xFFFFFFE0] =	vst v3;
	v5 =	vld [tilespmem:s24+$0x10]  }
0x6c: {  	s28 =	simm.s32 $0x280;
	s25 =	simm.s32 $0x0;
	s26 =	simm.s32 $0x4;
	v3 =	vld.idx.msk [tilespmem:v10+s19+$0x0], $0xffff  }
.LBB2_5:
0x6d: {  	p0 =	sne.s32 s26, $0x7C  }
0x6e: {  	v8 =	vld [tilespmem:s24+$0x50];
	s28 =	sadd.s32 $0x200, s28;
	s29 =	smov.u32 s26;
	s26 =	sadd.s32 $0x4, s26  }
0x6f: {  	v9 =	vld [tilespmem:s24+$0x70];
	_ =	sdelay $0x1  }
0x70: {  	v6 =	vmul.f32 v6, v3;
	v7 =	vmul.f32 v7, v3  }
0x71: {  	v4 =	vmul.f32 v4, v3;
	v5 =	vmul.f32 v5, v3  }
0x72: {  	v1 =	vmul.f32 v1, v3;
	v2 =	vmul.f32 v2, v3;
	[tilespmem:s24+$0x60] =	vst v6  }
0x73: {  	[tilespmem:s24+$0x40] =	vst v4;
	v4 =	vmul.f32 v8, v3;
	v3 =	vmul.f32 v9, v3  }
0x74: {  	s30 =	sadd.s32 $0x3, s25;
	s25 =	smov.u32 s29;
	[tilespmem:s24+$0x20] =	vst v1;
	v6 =	vld [tilespmem:s24+$0x80]  }
0x75: {  	v1 =	vld [tilespmem:s28+$0x20];
	[tilespmem:s24+$0x0] =	vst v7;
	v7 =	vmov s30  }
0x76: {  	[tilespmem:s24+$0x50] =	vst v4;
	v4 =	vld [tilespmem:s24+$0xE0]  }
0x77: {  	[tilespmem:s24+$0x30] =	vst v2;
	v8 =	vld [tilespmem:s24+$0xC0]  }
0x78: {  	v2 =	vld [tilespmem:s28+$0x30];
	[tilespmem:s24+$0x10] =	vst v5  }
0x79: {  	[tilespmem:s24+$0x70] =	vst v3;
	v3 =	vld [tilespmem:s24+$0xA0]  }
0x7a: {  	v5 =	vld.idx.msk [tilespmem:v7+s19+$0x0], $0xffff  }
0x7b: {  	v7 =	vld [tilespmem:s24+$0x90]  }
0x7c: {  	v9 =	vld [tilespmem:s24+$0xB0]  }
0x7d: {  	v10 =	vld [tilespmem:s24+$0xD0]  }
0x7e: {  	v11 =	vld [tilespmem:s24+$0xF0];
	_ =	sdelay $0x1  }
0x7f: {  	v6 =	vmul.f32 v6, v5;
	v7 =	vmul.f32 v7, v5  }
0x80: {  	v3 =	vmul.f32 v3, v5;
	v9 =	vmul.f32 v9, v5  }
0x81: {  	v12 =	vmov s25;
	[tilespmem:s24+$0x80] =	vst v6;
	v6 =	vmul.f32 v8, v5;
	v8 =	vmul.f32 v10, v5  }
0x82: {  	v10 =	vand.u32 $0xFFFFFFFC, v12;
	[tilespmem:s24+$0xA0] =	vst v3;
	v3 =	vmul.f32 v4, v5;
	v4 =	vmul.f32 v11, v5  }
0x83: {  	v5 =	vbroadcast v10, $0x0;
	[tilespmem:s24+$0xC0] =	vst v6  }
0x84: {  	[tilespmem:s24+$0xF0] =	vst v4  }
0x85: {  	v4 =	vld [tilespmem:s28+$0xFFFFFF40];
	[tilespmem:s24+$0xE0] =	vst v3  }
0x86: {  	v3 =	vld [tilespmem:s28+$0xFFFFFF50];
	[tilespmem:s24+$0x90] =	vst v7  }
0x87: {  	v6 =	vld [tilespmem:s28+$0xFFFFFF60];
	[tilespmem:s24+$0xB0] =	vst v9  }
0x88: {  	v7 =	vld [tilespmem:s28+$0xFFFFFF70];
	[tilespmem:s24+$0xD0] =	vst v8;
	s24 =	smov.u32 s28  }
0x89: {  	v5 =	vld.idx.msk [tilespmem:v5+s19+$0x0], $0xffff  }
0x8a: {  	v8 =	vld [tilespmem:s28+$0xFFFFFF00]  }
0x8b: {  	v9 =	vld [tilespmem:s28+$0xFFFFFF20]  }
0x8c: {  	v10 =	vld [tilespmem:s28+$0xFFFFFF10]  }
0x8d: {  	v11 =	vld [tilespmem:s28+$0xFFFFFF30];
	_ =	sdelay $0x1  }
0x8e: {  	v7 =	vmul.f32 v7, v5;
	v8 =	vmul.f32 v8, v5  }
0x8f: {  	s29 =	sadd.s32 $0x1, s25;
	v6 =	vmul.f32 v6, v5;
	v9 =	vmul.f32 v9, v5  }
0x90: {  	v3 =	vmul.f32 v3, v5;
	v10 =	vmul.f32 v10, v5;
	[tilespmem:s28+$0xFFFFFF70] =	vst v7;
	v7 =	vmov s29  }
0x91: {  	v4 =	vmul.f32 v4, v5;
	[tilespmem:s28+$0xFFFFFF00] =	vst v8;
	v8 =	vmul.f32 v11, v5;
	v5 =	vand.u32 $0xFFFFFFFD, v7  }
0x92: {  	[tilespmem:s28+$0xFFFFFF20] =	vst v9;
	v5 =	vbroadcast v5, $0x0  }
0x93: {  	[tilespmem:s28+$0xFFFFFF50] =	vst v3  }
0x94: {  	[tilespmem:s28+$0xFFFFFF40] =	vst v4;
	v3 =	vld [tilespmem:s28+$0xFFFFFFF0]  }
0x95: {  	[tilespmem:s28+$0xFFFFFF60] =	vst v6;
	v4 =	vld [tilespmem:s28+$0xFFFFFFC0]  }
0x96: {  	[tilespmem:s28+$0xFFFFFF30] =	vst v8;
	v6 =	vld [tilespmem:s28+$0xFFFFFFD0]  }
0x97: {  	[tilespmem:s28+$0xFFFFFF10] =	vst v10;
	v7 =	vld [tilespmem:s28+$0xFFFFFF90]  }
0x98: {  	v5 =	vld.idx.msk [tilespmem:v5+s19+$0x0], $0xffff  }
0x99: {  	v8 =	vld [tilespmem:s28+$0xFFFFFF80]  }
0x9a: {  	v9 =	vld [tilespmem:s28+$0xFFFFFFA0]  }
0x9b: {  	v10 =	vld [tilespmem:s28+$0xFFFFFFB0]  }
0x9c: {  	v11 =	vld [tilespmem:s28+$0xFFFFFFE0];
	_ =	sdelay $0x1  }
0x9d: {  	v7 =	vmul.f32 v7, v5;
	v8 =	vmul.f32 v8, v5  }
0x9e: {  	s29 =	sadd.s32 $0x2, s25;
	v6 =	vmul.f32 v6, v5;
	v9 =	vmul.f32 v9, v5  }
0x9f: {  	v4 =	vmul.f32 v4, v5;
	[tilespmem:s28+$0xFFFFFF90] =	vst v7;
	v7 =	vmul.f32 v10, v5;
	v10 =	vmov s29  }
0xa0: {  	v3 =	vmul.f32 v3, v5;
	[tilespmem:s28+$0xFFFFFFA0] =	vst v9;
	v9 =	vmul.f32 v11, v5;
	v5 =	vand.u32 $0xFFFFFFFE, v10  }
0xa1: {  	[tilespmem:s28+$0xFFFFFF80] =	vst v8;
	v5 =	vbroadcast v5, $0x0  }
0xa2: {  	[tilespmem:s28+$0xFFFFFFB0] =	vst v7  }
0xa3: {  	[tilespmem:s28+$0xFFFFFFC0] =	vst v4  }
0xa4: {  	[tilespmem:s28+$0xFFFFFFD0] =	vst v6  }
.Ltmp1:
0xa5: {  	[tilespmem:s28+$0xFFFFFFF0] =	vst v3;
	v4 =	vld [tilespmem:s28+$0x40];
	(pc) =	sbr.rel @p0 .LBB2_5-.Ltmp1, $4  }
0xa6: {  	[tilespmem:s28+$0xFFFFFFE0] =	vst v9;
	v6 =	vld [tilespmem:s28+$0x60]  }
0xa7: {  	v3 =	vld.idx.msk [tilespmem:v5+s19+$0x0], $0xffff  }
0xa8: {  	v7 =	vld [tilespmem:s28+$0x0]  }
0xa9: {  	v5 =	vld [tilespmem:s28+$0x10]  }
0xaa: {  	_ =	sdelay $0x1  }
0xab: {  	v6 =	vmul.f32 v6, v3  }
0xac: {  	v8 =	vld [tilespmem:s24+$0x50];
	v4 =	vmul.f32 v4, v3  }
0xad: {  	v9 =	vld [tilespmem:s24+$0x70];
	v1 =	vmul.f32 v1, v3;
	[tilespmem:s24+$0x60] =	vst v6  }
0xae: {  	v54 =	vmul.f32 v7, v3;
	[tilespmem:s24+$0x40] =	vst v4  }
0xaf: {  	s25 =	sadd.s32 $0x3, s25;
	[tilespmem:s24+$0x20] =	vst v1;
	v1 =	vmul.f32 v2, v3  }
0xb0: {  	v56 =	vmov s25;
	v5 =	vmul.f32 v5, v3;
	[tilespmem:s24+$0x0] =	vst v54  }
0xb1: {  	v55 =	vmul.f32 v8, v3;
	[tilespmem:s24+$0x30] =	vst v1  }
0xb2: {  	v3 =	vmul.f32 v9, v3;
	[tilespmem:s24+$0x10] =	vst v5  }
0xb3: {  	[tilespmem:s24+$0x50] =	vst v55  }
0xb4: {  	v2 =	vld [tilespmem:s24+$0x80];
	[tilespmem:s24+$0x70] =	vst v3  }
0xb5: {  	v1 =	vld.idx.msk [tilespmem:v56+s19+$0x0], $0xffff  }
0xb6: {  	v3 =	vld [tilespmem:s24+$0xA0]  }
0xb7: {  	v59 =	vld [tilespmem:s24+$0xE0]  }
0xb8: {  	v57 =	vld [tilespmem:s24+$0xC0]  }
0xb9: {  	v58 =	vld [tilespmem:s24+$0xF0]  }
0xba: {  	v60 =	vld [tilespmem:s24+$0x90];
	v2 =	vmul.f32 v2, v1  }
0xbb: {  	v61 =	vld [tilespmem:s24+$0xB0];
	v3 =	vmul.f32 v3, v1  }
0xbc: {  	v62 =	vld [tilespmem:s24+$0xD0];
	v63 =	vmul.f32 v59, v1;
	[tilespmem:s24+$0x80] =	vst v2  }
0xbd: {  	v2 =	vmul.f32 v57, v1;
	[tilespmem:s24+$0xA0] =	vst v3  }
0xbe: {  	v3 =	vmul.f32 v58, v1;
	[tilespmem:s24+$0xE0] =	vst v63  }
0xbf: {  	[tilespmem:s24+$0xC0] =	vst v2;
	v2 =	vmul.f32 v60, v1  }
0xc0: {  	[tilespmem:s24+$0xF0] =	vst v3;
	v3 =	vmul.f32 v61, v1  }
0xc1: {  	s23 =	sadd.s32 $0x1, s23;
	v1 =	vmul.f32 v62, v1;
	[tilespmem:s24+$0x90] =	vst v2  }
0xc2: {  	p0 =	sne.s32 s23, $0x50;
	[tilespmem:s24+$0xB0] =	vst v3  }
.Ltmp2:
0xc3: {  	[tilespmem:s24+$0xD0] =	vst v1;
	(pc) =	sbr.rel @p0 .LBB2_4-.Ltmp2, $4  }
0xc4: {  	[spmem:s4] =	stream.indirect.scatter.add.f32 [tilespmem:s16], [sflag:$0x2], $0x80, s18, s18, $0xb8;
	[tilespmem:$0x17D80] =	vst v63  }
0xc5: {  	_ =	swait.ge [sflag:s17], $0x4000  }
0xc6: {  	[sflag:s17] =	ssyncset.done $0x0  }
0xc7: {  	[sflag:s17] =	ssyncadd.s32 $0xFFFFC000  }
0xc8: {  	s5 =	sadd.s32 $0x1, s5  }
0xc9: {  	p0 =	sne.s32 s5, s15  }
.Ltmp3:
0xca: {  	[bflag:$0x0] =	sbarrier.arrive $0xFFFF;
	s22 =	sshrl.u32 s8, $0x3;
	(pc) =	sbr.rel @p0 .LBB2_1-.Ltmp3, $4  }
0xcb: {  	[hbm:s14], [sflag:s21] =	dma.local [spmem:s22], $0x2780  }
0xcc: {  	_ =	swait.ge [sflag:s17], $0x2780  }
0xcd: {  	[sflag:s17] =	ssyncset.done $0x0  }
0xce: {  	[sflag:s17] =	ssyncadd.s32 $0xFFFFD880  }
0xcf: {  	_ =	sfence.sel $0x180000  }
0xd0: {  	[bflag:$0x0] =	sbarrier.arrive $0xFFFF  }
0xd1: {  	p0 =	sne.s32 s3, $0x0;
	_ =	strace $0x90000047  }
0xd2: {  	s0 =	sadd.s32 @!p0 $0x100000, s0;
	[bflag:$0x2] =	sbarrier.arrive $0xFFFF  }
0xd3: {  	[sflag:s0] =	ssyncadd.tile.s32 @!p0 $0x1;
	_ =	shalt  }
.Lfunc_end2:
_tile_overlayer_lowered:
.L_overlay_start_2:
0xd4: {  	(tag) =	ssettag $0x2  }
0xd5: {  	s0 =	rddreg [dreg:$0x0];
	s2 =	stileid.u32  }
0xd6: {  	s1 =	rddreg [dreg:$0x1];
	p0 =	sne.s32 s2, $0x0  }
0xd7: {  	s3 =	rddreg [dreg:$0x2];
	[bflag:$0x3] =	sbarrier.arrive $0xFFFF;
	s2 =	simm.s32 @!p0 $0x1C02  }
0xd8: {  	[timem:s3], [sflag:s2] =	dma.local @!p0 [hbm:s0], s1  }
0xd9: {  	s0 =	simm.s32 @!p0 $0x2  }
0xda: {  	_ =	swait.ge @!p0 [sflag:s0], s1  }
0xdb: {  	s1 =	ssub.s32 @!p0 $0x0, s1;
	[sflag:s0] =	ssyncset.done @!p0 $0x0  }
0xdc: {  	[sflag:s0] =	ssyncadd.s32 @!p0 s1  }
0xdd: {  	[bflag:$0x3] =	sbarrier.arrive $0xFFFF  }
0xde: {  	_ =	shalt  }

</sc_bundles>
